<compile_context>
chip_gen: v7x
topology: tpu7x:2x2x1
jax: 0.10.2.dev20260603
libtpu: 0.0.44.dev20260713+nightly
codegen_flags: <defaults>
</compile_context>

<pallas_src>
import functools

import jax
import jax.numpy as jnp
from jax import lax
from jax.experimental import pallas as pl
from jax.experimental.pallas import tpu as pltpu
from jax.experimental.pallas import tpu_sc as plsc

BOUNDS = (0, 5, 55, 605, 6655, 73205, 805254)
D = 1024
L = 16
NC, NS = 2, 16
NW = NC * NS


def _splat(val, n=L, dtype=jnp.int32):
    return jnp.full((n,), val, dtype=dtype)


def _sc_forward(B, positions_flat, e0, e1, e2, e3, e4, identity_emb,
                gates16, inv_smooth16):
    BPW = B // NW
    GROUPS = BPW // L
    LCAP = BPW + L
    tables = (e0, e1, e2, e3, e4)

    mesh = plsc.VectorSubcoreMesh(
        core_axis_name="c", subcore_axis_name="s",
        num_cores=NC, num_subcores=NS)

    @functools.partial(
        pl.kernel,
        out_type=jax.ShapeDtypeStruct((B, D), jnp.float32),
        mesh=mesh,
        compiler_params=pltpu.CompilerParams(needs_layout_passes=False),
        scratch_types=[
            pltpu.VMEM((5 * LCAP,), jnp.int32),
            pltpu.VMEM((5 * LCAP,), jnp.int32),
            pltpu.VMEM((5 * LCAP,), jnp.float32),
            pltpu.VMEM((L, D), jnp.float32),
            pltpu.VMEM((5, D), jnp.float32),
            pltpu.VMEM((L,), jnp.float32),
            pltpu.VMEM((L,), jnp.float32),
            pltpu.VMEM((BPW,), jnp.int32),
            pltpu.SemaphoreType.DMA,
        ],
    )
    def k(pos_hbm, t0, t1, t2, t3, t4, id_hbm, gates_hbm, ismo_hbm, out_hbm,
          loc_v, dst_v, scl_v, gat_v, id_v, gates_v, ismo_v, pos_v, sem):
        tabs = (t0, t1, t2, t3, t4)
        wid = lax.axis_index("s") * NC + lax.axis_index("c")
        base = wid * BPW

        pltpu.sync_copy(pos_hbm.at[pl.ds(base, BPW)], pos_v)
        pltpu.sync_copy(id_hbm, id_v)
        pltpu.sync_copy(gates_hbm, gates_v)
        pltpu.sync_copy(ismo_hbm, ismo_v)

        iota = lax.iota(jnp.int32, L)
        ismo = ismo_v[...]

        def compact_body(g, cnts):
            p = plsc.load_gather(pos_v, [_splat(g * L) + iota])
            pa = jnp.abs(p)
            r = _splat(0)
            start = _splat(0)
            nxt = _splat(BOUNDS[1])
            for kb in range(1, 5):
                above = pa >= BOUNDS[kb]
                r = r + above.astype(jnp.int32)
                start = jnp.where(above, _splat(BOUNDS[kb]), start)
                nxt = jnp.where(above, _splat(BOUNDS[kb + 1]), nxt)
            local = jnp.clip(pa - start, _splat(0), nxt - start - 1)
            dist = (nxt - p).astype(jnp.float32)
            gate = 1.0 / (1.0 + jnp.exp(-dist * ismo))
            rgate = plsc.load_gather(gates_v, [r])
            scale = gate * rgate
            dest = _splat(base + g * L) + iota
            new_cnts = []
            for i in range(5):
                m = r == i
                pc = plsc.cumsum(m.astype(jnp.int32))
                slot = _splat(i * LCAP) + cnts[i] + pc - 1
                plsc.store_scatter(loc_v, [slot], local, mask=m)
                plsc.store_scatter(dst_v, [slot], dest, mask=m)
                plsc.store_scatter(scl_v, [slot], scale, mask=m)
                new_cnts.append(cnts[i] + plsc.all_reduce_population_count(m))
            return tuple(new_cnts)

        cnts = lax.fori_loop(
            0, GROUPS, compact_body, tuple(_splat(0) for _ in range(5)))

        for i in range(5):
            cnt_s = jnp.max(cnts[i])
            lbase = i * LCAP

            @pl.when(cnt_s > 0)
            def _process():
                lastq = _splat(lbase) + cnts[i] - 1
                tail = _splat(lbase) + cnts[i] + iota
                plsc.store_scatter(loc_v, [tail], plsc.load_gather(loc_v, [lastq]))
                plsc.store_scatter(dst_v, [tail], plsc.load_gather(dst_v, [lastq]))
                plsc.store_scatter(scl_v, [tail], plsc.load_gather(scl_v, [lastq]))
                n_g = (cnt_s + (L - 1)) >> 4

                def group_body(t, _):
                    q = _splat(lbase + t * L) + iota
                    lidx = plsc.load_gather(loc_v, [q])
                    pltpu.async_copy(tabs[i].at[lidx], gat_v, sem).wait()

                    def row_body(j, _):
                        sj = plsc.load_gather(scl_v, [_splat(lbase + t * L + j)])
                        jv = _splat(j)
                        iv = _splat(i)

                        def col_body(c, _):
                            col = _splat(c * L) + iota
                            v = plsc.load_gather(gat_v, [jv, col])
                            dv = plsc.load_gather(id_v, [iv, col])
                            plsc.store_scatter(gat_v, [jv, col], (v + dv) * sj)
                            return 0

                        lax.fori_loop(0, D // L, col_body, 0)
                        return 0

                    lax.fori_loop(0, L, row_body, 0)
                    didx = plsc.load_gather(dst_v, [q])
                    pltpu.async_copy(gat_v, out_hbm.at[didx], sem).wait()
                    return 0

                lax.fori_loop(0, n_g, group_body, 0)

    return k(positions_flat, e0, e1, e2, e3, e4, identity_emb,
             gates16, inv_smooth16)


def kernel(positions, emb0, emb1, emb2, emb3, emb4, identity_emb,
           transition_gates, transition_smoothness):
    shape = positions.shape
    B = positions.size
    pos_flat = positions.reshape(B)
    gates16 = jnp.zeros((L,), jnp.float32).at[:5].set(transition_gates)
    inv_smooth16 = jnp.full((L,), 1.0, jnp.float32) / transition_smoothness[0]
    out = _sc_forward(B, pos_flat, emb0, emb1, emb2, emb3, emb4,
                      identity_emb, gates16, inv_smooth16)
    return out.reshape(shape + (D,))

# --- scband reference (transcript-rebuilt; emitter-appended) ---
"""Pipeline reference for scband-irhierarchical-positional-encoding-69741678952847 (READ-ONLY COPY).

The authoritative reference and input builder live on the scoring server;
editing this copy changes nothing except your own understanding.
"""

import jax, jax.numpy as jnp
import numpy as np

IR_BOUNDARIES = jnp.array([0, 5, 55, 605, 6655, 73205, 805254], dtype=jnp.int32)
D_MODEL = 1024
NUM_REGIMES = 5
REGIME_SIZES = [5, 50, 550, 6050, 66550]


def setup_inputs(seed: int = 0) -> dict:
    key = jax.random.key(seed)
    ks = jax.random.split(key, 8)
    positions = jax.random.randint(ks[0], (2, 8192), 0, 65536, dtype=jnp.int32)
    inp = {"positions": positions}
    for i, s in enumerate(REGIME_SIZES):
        inp[f"emb{i}"] = 0.02 * jax.random.normal(ks[1 + i], (s, D_MODEL), dtype=jnp.float32)
    inp["identity_emb"] = 0.02 * jax.random.normal(ks[6], (NUM_REGIMES, D_MODEL), dtype=jnp.float32)
    inp["transition_gates"] = jnp.ones((NUM_REGIMES,), dtype=jnp.float32)
    inp["transition_smoothness"] = jnp.ones((1,), dtype=jnp.float32) * 10.0
    return inp


def _forward(positions, embs, identity_emb, transition_gates, transition_smoothness):
    pos = jnp.abs(positions)
    above = pos[..., None] >= IR_BOUNDARIES[None, None, :]
    regimes = jnp.clip(jnp.sum(above.astype(jnp.int32), axis=-1) - 1, 0, 5)
    regime_starts = jnp.take(IR_BOUNDARIES, regimes, axis=0)
    local = pos - regime_starts
    enc = jnp.zeros(positions.shape + (D_MODEL,), dtype=jnp.float32)
    for i, e in enumerate(embs):
        idx = jnp.clip(local, 0, e.shape[0] - 1)
        gathered = jnp.take(e, idx, axis=0)
        mask = (regimes == i)[..., None]
        enc = jnp.where(mask, gathered, enc)
    enc = enc + jnp.take(identity_emb, regimes, axis=0)
    next_boundary = jnp.take(IR_BOUNDARIES, regimes + 1, axis=0)
    dist = (next_boundary - positions).astype(jnp.float32)
    gate_values = jax.nn.sigmoid(dist / transition_smoothness[0])
    regime_gates = jnp.take(transition_gates, regimes, axis=0)
    out = enc * (gate_values * regime_gates)[..., None]
    return out


def reference(positions, emb0, emb1, emb2, emb3, emb4, identity_emb, transition_gates, transition_smoothness):
    return _forward(positions, [emb0, emb1, emb2, emb3, emb4], identity_emb, transition_gates, transition_smoothness)

if __name__ == "__main__":
    import jax
    _d = setup_inputs()
    print(jax.jit(kernel)(*tuple(_d.values())))

</pallas_src>

<mosaic_0001>
#map = affine_map<(d0, d1) -> (0)>
#map1 = affine_map<(d0, d1) -> (0, 0)>
module attributes {stable_mosaic.version = 14 : i64} {
  func.func @k(%arg0: i32, %arg1: i32, %arg2: memref<16384xi32, #tpu.memory_space<hbm>>, %arg3: memref<5x1024xf32, #tpu.memory_space<hbm>>, %arg4: memref<50x1024xf32, #tpu.memory_space<hbm>>, %arg5: memref<550x1024xf32, #tpu.memory_space<hbm>>, %arg6: memref<6050x1024xf32, #tpu.memory_space<hbm>>, %arg7: memref<66550x1024xf32, #tpu.memory_space<hbm>>, %arg8: memref<5x1024xf32, #tpu.memory_space<hbm>>, %arg9: memref<16xf32, #tpu.memory_space<hbm>>, %arg10: memref<16xf32, #tpu.memory_space<hbm>>, %arg11: memref<16384x1024xf32, #tpu.memory_space<hbm>>, %arg12: memref<2640xi32, #tpu.memory_space<vmem>>, %arg13: memref<2640xi32, #tpu.memory_space<vmem>>, %arg14: memref<2640xf32, #tpu.memory_space<vmem>>, %arg15: memref<16x1024xf32, #tpu.memory_space<vmem>>, %arg16: memref<5x1024xf32, #tpu.memory_space<vmem>>, %arg17: memref<16xf32, #tpu.memory_space<vmem>>, %arg18: memref<16xf32, #tpu.memory_space<vmem>>, %arg19: memref<512xi32, #tpu.memory_space<vmem>>, %arg20: memref<!tpu.dma_semaphore, #tpu.memory_space<semaphore_mem>>) attributes {dimension_semantics = [#tpu.dimension_semantics<core_parallel>, #tpu.dimension_semantics<subcore_parallel>], iteration_bounds = array<i64: 2, 16>, scalar_prefetch = 0 : i64, scratch_operands = 9 : i64, tpu.core_type = #tpu.core_type<sc_vector_subcore>, window_params = [{transform_indices = #map}, {transform_indices = #map1}, {transform_indices = #map1}, {transform_indices = #map1}, {transform_indices = #map1}, {transform_indices = #map1}, {transform_indices = #map1}, {transform_indices = #map}, {transform_indices = #map}, {transform_indices = #map1}]} {
    %mul3A = arith.constant 2 : i32
    %mul3A_0 = arith.muli %arg1, %mul3A : i32
    %add3A = arith.addi %mul3A_0, %arg0 : i32
    %mul3A_1 = arith.constant 512 : i32
    %mul3A_2 = arith.muli %add3A, %mul3A_1 : i32
    "tpu.region"() ({
      %run_scoped3A = tpu.sem_alloc : memref<!tpu.dma_semaphore, #tpu.memory_space<semaphore_mem>>
      %dma_start3A = tpu.memref_slice %arg2[%mul3A_2] : memref<16384xi32, #tpu.memory_space<hbm>> -> memref<512xi32, #tpu.memory_space<hbm>>
      %dma_start3A_79 = tpu.memref_slice %arg2[%mul3A_2] : memref<16384xi32, #tpu.memory_space<hbm>> -> memref<512xi32, #tpu.memory_space<hbm>>
      tpu.enqueue_dma source(%dma_start3A_79 : memref<512xi32, #tpu.memory_space<hbm>>) target(%arg19 : memref<512xi32, #tpu.memory_space<vmem>>) target_semaphore(%run_scoped3A : memref<!tpu.dma_semaphore, #tpu.memory_space<semaphore_mem>>)
      %dma_wait3A = tpu.memref_slice %arg2[%mul3A_2] : memref<16384xi32, #tpu.memory_space<hbm>> -> memref<512xi32, #tpu.memory_space<hbm>>
      %dma_wait3A_80 = tpu.memref_slice %arg2[%mul3A_2] : memref<16384xi32, #tpu.memory_space<hbm>> -> memref<512xi32, #tpu.memory_space<hbm>>
      tpu.wait_dma2 semaphore(%run_scoped3A : memref<!tpu.dma_semaphore, #tpu.memory_space<semaphore_mem>>) src(%dma_wait3A_80 : memref<512xi32, #tpu.memory_space<hbm>>) dst(%arg19 : memref<512xi32, #tpu.memory_space<vmem>>)
      tpu.yield
    }) : () -> ()
    "tpu.region"() ({
      %run_scoped3A = tpu.sem_alloc : memref<!tpu.dma_semaphore, #tpu.memory_space<semaphore_mem>>
      tpu.enqueue_dma source(%arg8 : memref<5x1024xf32, #tpu.memory_space<hbm>>) target(%arg16 : memref<5x1024xf32, #tpu.memory_space<vmem>>) target_semaphore(%run_scoped3A : memref<!tpu.dma_semaphore, #tpu.memory_space<semaphore_mem>>)
      tpu.wait_dma2 semaphore(%run_scoped3A : memref<!tpu.dma_semaphore, #tpu.memory_space<semaphore_mem>>) src(%arg8 : memref<5x1024xf32, #tpu.memory_space<hbm>>) dst(%arg16 : memref<5x1024xf32, #tpu.memory_space<vmem>>)
      tpu.yield
    }) : () -> ()
    "tpu.region"() ({
      %run_scoped3A = tpu.sem_alloc : memref<!tpu.dma_semaphore, #tpu.memory_space<semaphore_mem>>
      tpu.enqueue_dma source(%arg9 : memref<16xf32, #tpu.memory_space<hbm>>) target(%arg17 : memref<16xf32, #tpu.memory_space<vmem>>) target_semaphore(%run_scoped3A : memref<!tpu.dma_semaphore, #tpu.memory_space<semaphore_mem>>)
      tpu.wait_dma2 semaphore(%run_scoped3A : memref<!tpu.dma_semaphore, #tpu.memory_space<semaphore_mem>>) src(%arg9 : memref<16xf32, #tpu.memory_space<hbm>>) dst(%arg17 : memref<16xf32, #tpu.memory_space<vmem>>)
      tpu.yield
    }) : () -> ()
    "tpu.region"() ({
      %run_scoped3A = tpu.sem_alloc : memref<!tpu.dma_semaphore, #tpu.memory_space<semaphore_mem>>
      tpu.enqueue_dma source(%arg10 : memref<16xf32, #tpu.memory_space<hbm>>) target(%arg18 : memref<16xf32, #tpu.memory_space<vmem>>) target_semaphore(%run_scoped3A : memref<!tpu.dma_semaphore, #tpu.memory_space<semaphore_mem>>)
      tpu.wait_dma2 semaphore(%run_scoped3A : memref<!tpu.dma_semaphore, #tpu.memory_space<semaphore_mem>>) src(%arg10 : memref<16xf32, #tpu.memory_space<hbm>>) dst(%arg18 : memref<16xf32, #tpu.memory_space<vmem>>)
      tpu.yield
    }) : () -> ()
    %iota3A = tpu.iota {dimensions = array<i32: 0>} : vector<16xi32>
    %get3A = arith.constant 0 : index
    %get3A_3 = tpu.vector_load %arg18[%get3A] {strides = array<i32>} : memref<16xf32, #tpu.memory_space<vmem>>, vector<16xf32>,
    %broadcast_in_dim3A = arith.constant 0 : i32
    %broadcast_in_dim3A_4 = vector.broadcast %broadcast_in_dim3A : i32 to vector<16xi32>
    %broadcast_in_dim3A_5 = arith.constant 0 : i32
    %broadcast_in_dim3A_6 = vector.broadcast %broadcast_in_dim3A_5 : i32 to vector<16xi32>
    %broadcast_in_dim3A_7 = arith.constant 0 : i32
    %broadcast_in_dim3A_8 = vector.broadcast %broadcast_in_dim3A_7 : i32 to vector<16xi32>
    %broadcast_in_dim3A_9 = arith.constant 0 : i32
    %broadcast_in_dim3A_10 = vector.broadcast %broadcast_in_dim3A_9 : i32 to vector<16xi32>
    %broadcast_in_dim3A_11 = arith.constant 0 : i32
    %broadcast_in_dim3A_12 = vector.broadcast %broadcast_in_dim3A_11 : i32 to vector<16xi32>
    %scan3A = arith.constant 0 : i32
    %scan3A_13 = arith.constant 32 : i32
    %scan3A_14 = arith.addi %scan3A, %scan3A_13 : i32
    %scan3A_15 = arith.constant 1 : i32
    %scan3A_16:5 = scf.for %scan3A_79 = %scan3A to %scan3A_14 step %scan3A_15 iter_args(%scan3A_80 = %broadcast_in_dim3A_4, %scan3A_81 = %broadcast_in_dim3A_6, %scan3A_82 = %broadcast_in_dim3A_8, %scan3A_83 = %broadcast_in_dim3A_10, %scan3A_84 = %broadcast_in_dim3A_12) -> (vector<16xi32>, vector<16xi32>, vector<16xi32>, vector<16xi32>, vector<16xi32>)  : i32 {
      %mul3A_85 = arith.constant 16 : i32
      %mul3A_86 = arith.muli %scan3A_79, %mul3A_85 : i32
      %broadcast_in_dim3A_87 = vector.broadcast %mul3A_86 : i32 to vector<16xi32>
      %add3A_88 = arith.addi %broadcast_in_dim3A_87, %iota3A : vector<16xi32>
      %gather3A = tpu.vector_load_idx %arg19[%add3A_88] : memref<512xi32, #tpu.memory_space<vmem>>[vector<16xi32>], vector<16xi32>,
      %abs3A = math.absi %gather3A : vector<16xi32>
      %broadcast_in_dim3A_89 = arith.constant 0 : i32
      %broadcast_in_dim3A_90 = vector.broadcast %broadcast_in_dim3A_89 : i32 to vector<16xi32>
      %broadcast_in_dim3A_91 = arith.constant 0 : i32
      %broadcast_in_dim3A_92 = vector.broadcast %broadcast_in_dim3A_91 : i32 to vector<16xi32>
      %broadcast_in_dim3A_93 = arith.constant 5 : i32
      %broadcast_in_dim3A_94 = vector.broadcast %broadcast_in_dim3A_93 : i32 to vector<16xi32>
      %ge3A = arith.constant 5 : i32
      %ge3A_95 = vector.broadcast %ge3A : i32 to vector<16xi32>
      %ge3A_96 = arith.cmpi sge, %abs3A, %ge3A_95 : vector<16xi32>
      %convert_element_type3A_97 = arith.extui %ge3A_96 : vector<16xi1> to vector<16xi32>
      %add3A_98 = arith.addi %broadcast_in_dim3A_90, %convert_element_type3A_97 : vector<16xi32>
      %broadcast_in_dim3A_99 = arith.constant 5 : i32
      %broadcast_in_dim3A_100 = vector.broadcast %broadcast_in_dim3A_99 : i32 to vector<16xi32>
      %select_n3A = arith.select %ge3A_96, %broadcast_in_dim3A_100, %broadcast_in_dim3A_92 : vector<16xi1>, vector<16xi32>
      %broadcast_in_dim3A_101 = arith.constant 55 : i32
      %broadcast_in_dim3A_102 = vector.broadcast %broadcast_in_dim3A_101 : i32 to vector<16xi32>
      %select_n3A_103 = arith.select %ge3A_96, %broadcast_in_dim3A_102, %broadcast_in_dim3A_94 : vector<16xi1>, vector<16xi32>
      %ge3A_104 = arith.constant 55 : i32
      %ge3A_105 = vector.broadcast %ge3A_104 : i32 to vector<16xi32>
      %ge3A_106 = arith.cmpi sge, %abs3A, %ge3A_105 : vector<16xi32>
      %convert_element_type3A_107 = arith.extui %ge3A_106 : vector<16xi1> to vector<16xi32>
      %add3A_108 = arith.addi %add3A_98, %convert_element_type3A_107 : vector<16xi32>
      %broadcast_in_dim3A_109 = arith.constant 55 : i32
      %broadcast_in_dim3A_110 = vector.broadcast %broadcast_in_dim3A_109 : i32 to vector<16xi32>
      %select_n3A_111 = arith.select %ge3A_106, %broadcast_in_dim3A_110, %select_n3A : vector<16xi1>, vector<16xi32>
      %broadcast_in_dim3A_112 = arith.constant 605 : i32
      %broadcast_in_dim3A_113 = vector.broadcast %broadcast_in_dim3A_112 : i32 to vector<16xi32>
      %select_n3A_114 = arith.select %ge3A_106, %broadcast_in_dim3A_113, %select_n3A_103 : vector<16xi1>, vector<16xi32>
      %ge3A_115 = arith.constant 605 : i32
      %ge3A_116 = vector.broadcast %ge3A_115 : i32 to vector<16xi32>
      %ge3A_117 = arith.cmpi sge, %abs3A, %ge3A_116 : vector<16xi32>
      %convert_element_type3A_118 = arith.extui %ge3A_117 : vector<16xi1> to vector<16xi32>
      %add3A_119 = arith.addi %add3A_108, %convert_element_type3A_118 : vector<16xi32>
      %broadcast_in_dim3A_120 = arith.constant 605 : i32
      %broadcast_in_dim3A_121 = vector.broadcast %broadcast_in_dim3A_120 : i32 to vector<16xi32>
      %select_n3A_122 = arith.select %ge3A_117, %broadcast_in_dim3A_121, %select_n3A_111 : vector<16xi1>, vector<16xi32>
      %broadcast_in_dim3A_123 = arith.constant 6655 : i32
      %broadcast_in_dim3A_124 = vector.broadcast %broadcast_in_dim3A_123 : i32 to vector<16xi32>
      %select_n3A_125 = arith.select %ge3A_117, %broadcast_in_dim3A_124, %select_n3A_114 : vector<16xi1>, vector<16xi32>
      %ge3A_126 = arith.constant 6655 : i32
      %ge3A_127 = vector.broadcast %ge3A_126 : i32 to vector<16xi32>
      %ge3A_128 = arith.cmpi sge, %abs3A, %ge3A_127 : vector<16xi32>
      %convert_element_type3A_129 = arith.extui %ge3A_128 : vector<16xi1> to vector<16xi32>
      %add3A_130 = arith.addi %add3A_119, %convert_element_type3A_129 : vector<16xi32>
      %broadcast_in_dim3A_131 = arith.constant 6655 : i32
      %broadcast_in_dim3A_132 = vector.broadcast %broadcast_in_dim3A_131 : i32 to vector<16xi32>
      %select_n3A_133 = arith.select %ge3A_128, %broadcast_in_dim3A_132, %select_n3A_122 : vector<16xi1>, vector<16xi32>
      %broadcast_in_dim3A_134 = arith.constant 73205 : i32
      %broadcast_in_dim3A_135 = vector.broadcast %broadcast_in_dim3A_134 : i32 to vector<16xi32>
      %select_n3A_136 = arith.select %ge3A_128, %broadcast_in_dim3A_135, %select_n3A_125 : vector<16xi1>, vector<16xi32>
      %sub3A = arith.subi %abs3A, %select_n3A_133 : vector<16xi32>
      %broadcast_in_dim3A_137 = arith.constant 0 : i32
      %broadcast_in_dim3A_138 = vector.broadcast %broadcast_in_dim3A_137 : i32 to vector<16xi32>
      %sub3A_139 = arith.subi %select_n3A_136, %select_n3A_133 : vector<16xi32>
      %sub3A_140 = arith.constant 1 : i32
      %sub3A_141 = vector.broadcast %sub3A_140 : i32 to vector<16xi32>
      %sub3A_142 = arith.subi %sub3A_139, %sub3A_141 : vector<16xi32>
      %max3A = arith.maxsi %broadcast_in_dim3A_138, %sub3A : vector<16xi32>
      %min3A = arith.minsi %sub3A_142, %max3A : vector<16xi32>
      %sub3A_143 = arith.subi %select_n3A_136, %gather3A : vector<16xi32>
      %convert_element_type3A_144 = arith.sitofp %sub3A_143 : vector<16xi32> to vector<16xf32>
      %neg3A = arith.constant 0.000000e+00 : f32
      %neg3A_145 = vector.broadcast %neg3A : f32 to vector<16xf32>
      %neg3A_146 = arith.subf %neg3A_145, %convert_element_type3A_144 : vector<16xf32>
      %mul3A_147 = arith.mulf %neg3A_146, %get3A_3 : vector<16xf32>
      %exp3A = math.exp %mul3A_147 : vector<16xf32>
      %add3A_148 = arith.constant 1.000000e+00 : f32
      %add3A_149 = vector.broadcast %add3A_148 : f32 to vector<16xf32>
      %add3A_150 = arith.addf %add3A_149, %exp3A : vector<16xf32>
      %div3A = arith.constant 1.000000e+00 : f32
      %div3A_151 = vector.broadcast %div3A : f32 to vector<16xf32>
      %div3A_152 = arith.divf %div3A_151, %add3A_150 : vector<16xf32>
      %gather3A_153 = tpu.vector_load_idx %arg17[%add3A_130] : memref<16xf32, #tpu.memory_space<vmem>>[vector<16xi32>], vector<16xf32>,
      %mul3A_154 = arith.mulf %div3A_152, %gather3A_153 : vector<16xf32>
      %mul3A_155 = arith.constant 16 : i32
      %mul3A_156 = arith.muli %scan3A_79, %mul3A_155 : i32
      %add3A_157 = arith.addi %mul3A_2, %mul3A_156 : i32
      %broadcast_in_dim3A_158 = vector.broadcast %add3A_157 : i32 to vector<16xi32>
      %add3A_159 = arith.addi %broadcast_in_dim3A_158, %iota3A : vector<16xi32>
      %eq3A = arith.constant 0 : i32
      %eq3A_160 = vector.broadcast %eq3A : i32 to vector<16xi32>
      %eq3A_161 = arith.cmpi eq, %add3A_130, %eq3A_160 : vector<16xi32>
      %convert_element_type3A_162 = arith.extui %eq3A_161 : vector<16xi1> to vector<16xi32>
      %broadcast_in_dim3A_163 = arith.constant true
      %broadcast_in_dim3A_164 = vector.broadcast %broadcast_in_dim3A_163 : i1 to vector<16xi1>
      %masked_cumsum3A = tpu.scan <sum>, %convert_element_type3A_162 masked %broadcast_in_dim3A_164 : vector<16xi32>, vector<16xi1> -> vector<16xi32>
      %broadcast_in_dim3A_165 = arith.constant 0 : i32
      %broadcast_in_dim3A_166 = vector.broadcast %broadcast_in_dim3A_165 : i32 to vector<16xi32>
      %add3A_167 = arith.addi %broadcast_in_dim3A_166, %scan3A_80 : vector<16xi32>
      %add3A_168 = arith.addi %add3A_167, %masked_cumsum3A : vector<16xi32>
      %sub3A_169 = arith.constant 1 : i32
      %sub3A_170 = vector.broadcast %sub3A_169 : i32 to vector<16xi32>
      %sub3A_171 = arith.subi %add3A_168, %sub3A_170 : vector<16xi32>
      tpu.vector_store_idx %arg12[%sub3A_171], %min3A masked %eq3A_161 : memref<2640xi32, #tpu.memory_space<vmem>>[vector<16xi32>], vector<16xi32>, vector<16xi1>
      tpu.vector_store_idx %arg13[%sub3A_171], %add3A_159 masked %eq3A_161 : memref<2640xi32, #tpu.memory_space<vmem>>[vector<16xi32>], vector<16xi32>, vector<16xi1>
      tpu.vector_store_idx %arg14[%sub3A_171], %mul3A_154 masked %eq3A_161 : memref<2640xf32, #tpu.memory_space<vmem>>[vector<16xi32>], vector<16xf32>, vector<16xi1>
      %all_reduce_population_count3A = tpu.all_reduce %eq3A_161 {dim = 0 : i64, kind = #tpu.reduction_kind<sum>} : vector<16xi1> -> vector<16xi32>
      %add3A_172 = arith.addi %scan3A_80, %all_reduce_population_count3A : vector<16xi32>
      %eq3A_173 = arith.constant 1 : i32
      %eq3A_174 = vector.broadcast %eq3A_173 : i32 to vector<16xi32>
      %eq3A_175 = arith.cmpi eq, %add3A_130, %eq3A_174 : vector<16xi32>
      %convert_element_type3A_176 = arith.extui %eq3A_175 : vector<16xi1> to vector<16xi32>
      %broadcast_in_dim3A_177 = arith.constant true
      %broadcast_in_dim3A_178 = vector.broadcast %broadcast_in_dim3A_177 : i1 to vector<16xi1>
      %masked_cumsum3A_179 = tpu.scan <sum>, %convert_element_type3A_176 masked %broadcast_in_dim3A_178 : vector<16xi32>, vector<16xi1> -> vector<16xi32>
      %broadcast_in_dim3A_180 = arith.constant 528 : i32
      %broadcast_in_dim3A_181 = vector.broadcast %broadcast_in_dim3A_180 : i32 to vector<16xi32>
      %add3A_182 = arith.addi %broadcast_in_dim3A_181, %scan3A_81 : vector<16xi32>
      %add3A_183 = arith.addi %add3A_182, %masked_cumsum3A_179 : vector<16xi32>
      %sub3A_184 = arith.constant 1 : i32
      %sub3A_185 = vector.broadcast %sub3A_184 : i32 to vector<16xi32>
      %sub3A_186 = arith.subi %add3A_183, %sub3A_185 : vector<16xi32>
      tpu.vector_store_idx %arg12[%sub3A_186], %min3A masked %eq3A_175 : memref<2640xi32, #tpu.memory_space<vmem>>[vector<16xi32>], vector<16xi32>, vector<16xi1>
      tpu.vector_store_idx %arg13[%sub3A_186], %add3A_159 masked %eq3A_175 : memref<2640xi32, #tpu.memory_space<vmem>>[vector<16xi32>], vector<16xi32>, vector<16xi1>
      tpu.vector_store_idx %arg14[%sub3A_186], %mul3A_154 masked %eq3A_175 : memref<2640xf32, #tpu.memory_space<vmem>>[vector<16xi32>], vector<16xf32>, vector<16xi1>
      %all_reduce_population_count3A_187 = tpu.all_reduce %eq3A_175 {dim = 0 : i64, kind = #tpu.reduction_kind<sum>} : vector<16xi1> -> vector<16xi32>
      %add3A_188 = arith.addi %scan3A_81, %all_reduce_population_count3A_187 : vector<16xi32>
      %eq3A_189 = arith.constant 2 : i32
      %eq3A_190 = vector.broadcast %eq3A_189 : i32 to vector<16xi32>
      %eq3A_191 = arith.cmpi eq, %add3A_130, %eq3A_190 : vector<16xi32>
      %convert_element_type3A_192 = arith.extui %eq3A_191 : vector<16xi1> to vector<16xi32>
      %broadcast_in_dim3A_193 = arith.constant true
      %broadcast_in_dim3A_194 = vector.broadcast %broadcast_in_dim3A_193 : i1 to vector<16xi1>
      %masked_cumsum3A_195 = tpu.scan <sum>, %convert_element_type3A_192 masked %broadcast_in_dim3A_194 : vector<16xi32>, vector<16xi1> -> vector<16xi32>
      %broadcast_in_dim3A_196 = arith.constant 1056 : i32
      %broadcast_in_dim3A_197 = vector.broadcast %broadcast_in_dim3A_196 : i32 to vector<16xi32>
      %add3A_198 = arith.addi %broadcast_in_dim3A_197, %scan3A_82 : vector<16xi32>
      %add3A_199 = arith.addi %add3A_198, %masked_cumsum3A_195 : vector<16xi32>
      %sub3A_200 = arith.constant 1 : i32
      %sub3A_201 = vector.broadcast %sub3A_200 : i32 to vector<16xi32>
      %sub3A_202 = arith.subi %add3A_199, %sub3A_201 : vector<16xi32>
      tpu.vector_store_idx %arg12[%sub3A_202], %min3A masked %eq3A_191 : memref<2640xi32, #tpu.memory_space<vmem>>[vector<16xi32>], vector<16xi32>, vector<16xi1>
      tpu.vector_store_idx %arg13[%sub3A_202], %add3A_159 masked %eq3A_191 : memref<2640xi32, #tpu.memory_space<vmem>>[vector<16xi32>], vector<16xi32>, vector<16xi1>
      tpu.vector_store_idx %arg14[%sub3A_202], %mul3A_154 masked %eq3A_191 : memref<2640xf32, #tpu.memory_space<vmem>>[vector<16xi32>], vector<16xf32>, vector<16xi1>
      %all_reduce_population_count3A_203 = tpu.all_reduce %eq3A_191 {dim = 0 : i64, kind = #tpu.reduction_kind<sum>} : vector<16xi1> -> vector<16xi32>
      %add3A_204 = arith.addi %scan3A_82, %all_reduce_population_count3A_203 : vector<16xi32>
      %eq3A_205 = arith.constant 3 : i32
      %eq3A_206 = vector.broadcast %eq3A_205 : i32 to vector<16xi32>
      %eq3A_207 = arith.cmpi eq, %add3A_130, %eq3A_206 : vector<16xi32>
      %convert_element_type3A_208 = arith.extui %eq3A_207 : vector<16xi1> to vector<16xi32>
      %broadcast_in_dim3A_209 = arith.constant true
      %broadcast_in_dim3A_210 = vector.broadcast %broadcast_in_dim3A_209 : i1 to vector<16xi1>
      %masked_cumsum3A_211 = tpu.scan <sum>, %convert_element_type3A_208 masked %broadcast_in_dim3A_210 : vector<16xi32>, vector<16xi1> -> vector<16xi32>
      %broadcast_in_dim3A_212 = arith.constant 1584 : i32
      %broadcast_in_dim3A_213 = vector.broadcast %broadcast_in_dim3A_212 : i32 to vector<16xi32>
      %add3A_214 = arith.addi %broadcast_in_dim3A_213, %scan3A_83 : vector<16xi32>
      %add3A_215 = arith.addi %add3A_214, %masked_cumsum3A_211 : vector<16xi32>
      %sub3A_216 = arith.constant 1 : i32
      %sub3A_217 = vector.broadcast %sub3A_216 : i32 to vector<16xi32>
      %sub3A_218 = arith.subi %add3A_215, %sub3A_217 : vector<16xi32>
      tpu.vector_store_idx %arg12[%sub3A_218], %min3A masked %eq3A_207 : memref<2640xi32, #tpu.memory_space<vmem>>[vector<16xi32>], vector<16xi32>, vector<16xi1>
      tpu.vector_store_idx %arg13[%sub3A_218], %add3A_159 masked %eq3A_207 : memref<2640xi32, #tpu.memory_space<vmem>>[vector<16xi32>], vector<16xi32>, vector<16xi1>
      tpu.vector_store_idx %arg14[%sub3A_218], %mul3A_154 masked %eq3A_207 : memref<2640xf32, #tpu.memory_space<vmem>>[vector<16xi32>], vector<16xf32>, vector<16xi1>
      %all_reduce_population_count3A_219 = tpu.all_reduce %eq3A_207 {dim = 0 : i64, kind = #tpu.reduction_kind<sum>} : vector<16xi1> -> vector<16xi32>
      %add3A_220 = arith.addi %scan3A_83, %all_reduce_population_count3A_219 : vector<16xi32>
      %eq3A_221 = arith.constant 4 : i32
      %eq3A_222 = vector.broadcast %eq3A_221 : i32 to vector<16xi32>
      %eq3A_223 = arith.cmpi eq, %add3A_130, %eq3A_222 : vector<16xi32>
      %convert_element_type3A_224 = arith.extui %eq3A_223 : vector<16xi1> to vector<16xi32>
      %broadcast_in_dim3A_225 = arith.constant true
      %broadcast_in_dim3A_226 = vector.broadcast %broadcast_in_dim3A_225 : i1 to vector<16xi1>
      %masked_cumsum3A_227 = tpu.scan <sum>, %convert_element_type3A_224 masked %broadcast_in_dim3A_226 : vector<16xi32>, vector<16xi1> -> vector<16xi32>
      %broadcast_in_dim3A_228 = arith.constant 2112 : i32
      %broadcast_in_dim3A_229 = vector.broadcast %broadcast_in_dim3A_228 : i32 to vector<16xi32>
      %add3A_230 = arith.addi %broadcast_in_dim3A_229, %scan3A_84 : vector<16xi32>
      %add3A_231 = arith.addi %add3A_230, %masked_cumsum3A_227 : vector<16xi32>
      %sub3A_232 = arith.constant 1 : i32
      %sub3A_233 = vector.broadcast %sub3A_232 : i32 to vector<16xi32>
      %sub3A_234 = arith.subi %add3A_231, %sub3A_233 : vector<16xi32>
      tpu.vector_store_idx %arg12[%sub3A_234], %min3A masked %eq3A_223 : memref<2640xi32, #tpu.memory_space<vmem>>[vector<16xi32>], vector<16xi32>, vector<16xi1>
      tpu.vector_store_idx %arg13[%sub3A_234], %add3A_159 masked %eq3A_223 : memref<2640xi32, #tpu.memory_space<vmem>>[vector<16xi32>], vector<16xi32>, vector<16xi1>
      tpu.vector_store_idx %arg14[%sub3A_234], %mul3A_154 masked %eq3A_223 : memref<2640xf32, #tpu.memory_space<vmem>>[vector<16xi32>], vector<16xf32>, vector<16xi1>
      %all_reduce_population_count3A_235 = tpu.all_reduce %eq3A_223 {dim = 0 : i64, kind = #tpu.reduction_kind<sum>} : vector<16xi1> -> vector<16xi32>
      %add3A_236 = arith.addi %scan3A_84, %all_reduce_population_count3A_235 : vector<16xi32>
      scf.yield %add3A_172, %add3A_188, %add3A_204, %add3A_220, %add3A_236 : vector<16xi32>, vector<16xi32>, vector<16xi32>, vector<16xi32>, vector<16xi32>
    }
    %scan3A_17 = arith.constant 32 : i32
    %reduce_max3A = arith.constant true
    %reduce_max3A_18 = vector.broadcast %reduce_max3A : i1 to vector<16xi1>
    %reduce_max3A_19 = arith.constant -2147483648 : i32
    %reduce_max3A_20 = vector.broadcast %reduce_max3A_19 : i32 to vector<16xi32>
    %reduce_max3A_21 = arith.xori %scan3A_16#0, %reduce_max3A_20 : vector<16xi32>
    %reduce_max3A_22 = tpu.scan <max>, %reduce_max3A_21 masked %reduce_max3A_18 : vector<16xi32>, vector<16xi1> -> vector<16xi32>
    %reduce_max3A_23 = arith.xori %reduce_max3A_22, %reduce_max3A_20 : vector<16xi32>
    %reduce_max3A_24 = vector.extract %reduce_max3A_23[15] : i32 from vector<16xi32>
    %gt3A = arith.constant 0 : i32
    %gt3A_25 = arith.cmpi sgt, %reduce_max3A_24, %gt3A : i32
    %convert_element_type3A = arith.extui %gt3A_25 : i1 to i32
    %cond3A = arith.constant 0 : i32
    %cond3A_26 = arith.cmpi ne, %convert_element_type3A, %cond3A : i32
    scf.if %cond3A_26 {
      %broadcast_in_dim3A_79 = arith.constant 0 : i32
      %broadcast_in_dim3A_80 = vector.broadcast %broadcast_in_dim3A_79 : i32 to vector<16xi32>
      %add3A_81 = arith.addi %broadcast_in_dim3A_80, %scan3A_16#0 : vector<16xi32>
      %sub3A = arith.constant 1 : i32
      %sub3A_82 = vector.broadcast %sub3A : i32 to vector<16xi32>
      %sub3A_83 = arith.subi %add3A_81, %sub3A_82 : vector<16xi32>
      %broadcast_in_dim3A_84 = arith.constant 0 : i32
      %broadcast_in_dim3A_85 = vector.broadcast %broadcast_in_dim3A_84 : i32 to vector<16xi32>
      %add3A_86 = arith.addi %broadcast_in_dim3A_85, %scan3A_16#0 : vector<16xi32>
      %add3A_87 = arith.addi %add3A_86, %iota3A : vector<16xi32>
      %gather3A = tpu.vector_load_idx %arg12[%sub3A_83] : memref<2640xi32, #tpu.memory_space<vmem>>[vector<16xi32>], vector<16xi32>,
      tpu.vector_store_idx %arg12[%add3A_87], %gather3A : memref<2640xi32, #tpu.memory_space<vmem>>[vector<16xi32>], vector<16xi32>,
      %gather3A_88 = tpu.vector_load_idx %arg13[%sub3A_83] : memref<2640xi32, #tpu.memory_space<vmem>>[vector<16xi32>], vector<16xi32>,
      tpu.vector_store_idx %arg13[%add3A_87], %gather3A_88 : memref<2640xi32, #tpu.memory_space<vmem>>[vector<16xi32>], vector<16xi32>,
      %gather3A_89 = tpu.vector_load_idx %arg14[%sub3A_83] : memref<2640xf32, #tpu.memory_space<vmem>>[vector<16xi32>], vector<16xf32>,
      tpu.vector_store_idx %arg14[%add3A_87], %gather3A_89 : memref<2640xf32, #tpu.memory_space<vmem>>[vector<16xi32>], vector<16xf32>,
      %add3A_90 = arith.constant 15 : i32
      %add3A_91 = arith.addi %reduce_max3A_24, %add3A_90 : i32
      %shift_right_arithmetic3A = arith.constant 4 : i32
      %shift_right_arithmetic3A_92 = arith.shrsi %add3A_91, %shift_right_arithmetic3A : i32
      %while3A = arith.constant 0 : i32
      %while3A_93 = arith.constant 0 : i32
      %while3A_94 = arith.subi %shift_right_arithmetic3A_92, %while3A : i32
      %while3A_95 = arith.addi %while3A, %while3A_94 : i32
      %while3A_96 = arith.constant 1 : i32
      %while3A_97 = arith.divsi %while3A_94, %while3A_96 : i32
      %while3A_98 = arith.muli %while3A_97, %while3A_96 : i32
      %while3A_99 = arith.addi %while3A, %while3A_98 : i32
      %while3A_100 = arith.constant 1 : i32
      %while3A_101 = scf.for %while3A_104 = %while3A to %while3A_99 step %while3A_100 iter_args(%while3A_105 = %while3A_93) -> (i32)  : i32 {
        %mul3A_106 = arith.constant 16 : i32
        %mul3A_107 = arith.muli %while3A_104, %mul3A_106 : i32
        %add3A_108 = arith.constant 0 : i32
        %add3A_109 = arith.addi %add3A_108, %mul3A_107 : i32
        %broadcast_in_dim3A_110 = vector.broadcast %add3A_109 : i32 to vector<16xi32>
        %add3A_111 = arith.addi %broadcast_in_dim3A_110, %iota3A : vector<16xi32>
        %gather3A_112 = tpu.vector_load_idx %arg12[%add3A_111] : memref<2640xi32, #tpu.memory_space<vmem>>[vector<16xi32>], vector<16xi32>,
        %dma_start3A = arith.constant 0 : i32
        %dma_start3A_113 = arith.constant 0 : i32
        %dma_start3A_114 = tpu.memref_slice %arg3[%dma_start3A, %dma_start3A_113] : memref<5x1024xf32, #tpu.memory_space<hbm>> -> memref<5x1024xf32, #tpu.memory_space<hbm>>
        tpu.enqueue_indirect_dma source(%dma_start3A_114 : memref<5x1024xf32, #tpu.memory_space<hbm>>) target(%arg15 : memref<16x1024xf32, #tpu.memory_space<vmem>>) offsets(%gather3A_112 : vector<16xi32>) semaphore(%arg20 : memref<!tpu.dma_semaphore, #tpu.memory_space<semaphore_mem>>)
        %dma_wait3A = arith.constant 0 : i32
        %dma_wait3A_115 = arith.constant 0 : i32
        %dma_wait3A_116 = tpu.memref_slice %arg3[%dma_wait3A, %dma_wait3A_115] : memref<5x1024xf32, #tpu.memory_space<hbm>> -> memref<5x1024xf32, #tpu.memory_space<hbm>>
        tpu.wait_indirect_dma semaphore(%arg20 : memref<!tpu.dma_semaphore, #tpu.memory_space<semaphore_mem>>) src(%dma_wait3A_116 : memref<5x1024xf32, #tpu.memory_space<hbm>>) dst(%arg15 : memref<16x1024xf32, #tpu.memory_space<vmem>>)
        %scan3A_117 = arith.constant 0 : i32
        %scan3A_118 = arith.constant 0 : i32
        %scan3A_119 = arith.constant 16 : i32
        %scan3A_120 = arith.addi %scan3A_118, %scan3A_119 : i32
        %scan3A_121 = arith.constant 1 : i32
        %scan3A_122 = scf.for %scan3A_132 = %scan3A_118 to %scan3A_120 step %scan3A_121 iter_args(%scan3A_133 = %scan3A_117) -> (i32)  : i32 {
          %mul3A_134 = arith.constant 16 : i32
          %mul3A_135 = arith.muli %while3A_104, %mul3A_134 : i32
          %add3A_136 = arith.constant 0 : i32
          %add3A_137 = arith.addi %add3A_136, %mul3A_135 : i32
          %add3A_138 = arith.addi %add3A_137, %scan3A_132 : i32
          %broadcast_in_dim3A_139 = vector.broadcast %add3A_138 : i32 to vector<16xi32>
          %gather3A_140 = tpu.vector_load_idx %arg14[%broadcast_in_dim3A_139] : memref<2640xf32, #tpu.memory_space<vmem>>[vector<16xi32>], vector<16xf32>,
          %broadcast_in_dim3A_141 = vector.broadcast %scan3A_132 : i32 to vector<16xi32>
          %broadcast_in_dim3A_142 = arith.constant 0 : i32
          %broadcast_in_dim3A_143 = vector.broadcast %broadcast_in_dim3A_142 : i32 to vector<16xi32>
          %scan3A_144 = arith.constant 0 : i32
          %scan3A_145 = arith.constant 0 : i32
          %scan3A_146 = arith.constant 64 : i32
          %scan3A_147 = arith.addi %scan3A_145, %scan3A_146 : i32
          %scan3A_148 = arith.constant 1 : i32
          %scan3A_149 = scf.for %scan3A_152 = %scan3A_145 to %scan3A_147 step %scan3A_148 iter_args(%scan3A_153 = %scan3A_144) -> (i32)  : i32 {
            %mul3A_154 = arith.constant 16 : i32
            %mul3A_155 = arith.muli %scan3A_152, %mul3A_154 : i32
            %broadcast_in_dim3A_156 = vector.broadcast %mul3A_155 : i32 to vector<16xi32>
            %add3A_157 = arith.addi %broadcast_in_dim3A_156, %iota3A : vector<16xi32>
            %gather3A_158 = tpu.vector_load_idx %arg15[%broadcast_in_dim3A_141, %add3A_157] : memref<16x1024xf32, #tpu.memory_space<vmem>>[vector<16xi32>, vector<16xi32>], vector<16xf32>,
            %gather3A_159 = tpu.vector_load_idx %arg16[%broadcast_in_dim3A_143, %add3A_157] : memref<5x1024xf32, #tpu.memory_space<vmem>>[vector<16xi32>, vector<16xi32>], vector<16xf32>,
            %add3A_160 = arith.addf %gather3A_158, %gather3A_159 : vector<16xf32>
            %mul3A_161 = arith.mulf %add3A_160, %gather3A_140 : vector<16xf32>
            tpu.vector_store_idx %arg15[%broadcast_in_dim3A_141, %add3A_157], %mul3A_161 : memref<16x1024xf32, #tpu.memory_space<vmem>>[vector<16xi32>, vector<16xi32>], vector<16xf32>,
            %scan3A_162 = arith.constant 0 : i32
            scf.yield %scan3A_162 : i32
          }
          %scan3A_150 = arith.constant 64 : i32
          %scan3A_151 = arith.constant 0 : i32
          scf.yield %scan3A_151 : i32
        }
        %scan3A_123 = arith.constant 16 : i32
        %gather3A_124 = tpu.vector_load_idx %arg13[%add3A_111] : memref<2640xi32, #tpu.memory_space<vmem>>[vector<16xi32>], vector<16xi32>,
        %dma_start3A_125 = arith.constant 0 : i32
        %dma_start3A_126 = arith.constant 0 : i32
        %dma_start3A_127 = tpu.memref_slice %arg11[%dma_start3A_125, %dma_start3A_126] : memref<16384x1024xf32, #tpu.memory_space<hbm>> -> memref<16384x1024xf32, #tpu.memory_space<hbm>>
        tpu.enqueue_indirect_dma source(%arg15 : memref<16x1024xf32, #tpu.memory_space<vmem>>) target(%dma_start3A_127 : memref<16384x1024xf32, #tpu.memory_space<hbm>>) offsets(%gather3A_124 : vector<16xi32>) semaphore(%arg20 : memref<!tpu.dma_semaphore, #tpu.memory_space<semaphore_mem>>)
        %dma_wait3A_128 = arith.constant 0 : i32
        %dma_wait3A_129 = arith.constant 0 : i32
        %dma_wait3A_130 = tpu.memref_slice %arg11[%dma_wait3A_128, %dma_wait3A_129] : memref<16384x1024xf32, #tpu.memory_space<hbm>> -> memref<16384x1024xf32, #tpu.memory_space<hbm>>
        tpu.wait_indirect_dma semaphore(%arg20 : memref<!tpu.dma_semaphore, #tpu.memory_space<semaphore_mem>>) src(%arg15 : memref<16x1024xf32, #tpu.memory_space<vmem>>) dst(%dma_wait3A_130 : memref<16384x1024xf32, #tpu.memory_space<hbm>>)
        %while3A_131 = arith.constant 0 : i32
        scf.yield %while3A_131 : i32
      }
      %while3A_102 = arith.constant 1 : i32
      %while3A_103 = scf.for %while3A_104 = %while3A_99 to %while3A_95 step %while3A_102 iter_args(%while3A_105 = %while3A_101) -> (i32)  : i32 {
        %mul3A_106 = arith.constant 16 : i32
        %mul3A_107 = arith.muli %while3A_104, %mul3A_106 : i32
        %add3A_108 = arith.constant 0 : i32
        %add3A_109 = arith.addi %add3A_108, %mul3A_107 : i32
        %broadcast_in_dim3A_110 = vector.broadcast %add3A_109 : i32 to vector<16xi32>
        %add3A_111 = arith.addi %broadcast_in_dim3A_110, %iota3A : vector<16xi32>
        %gather3A_112 = tpu.vector_load_idx %arg12[%add3A_111] : memref<2640xi32, #tpu.memory_space<vmem>>[vector<16xi32>], vector<16xi32>,
        %dma_start3A = arith.constant 0 : i32
        %dma_start3A_113 = arith.constant 0 : i32
        %dma_start3A_114 = tpu.memref_slice %arg3[%dma_start3A, %dma_start3A_113] : memref<5x1024xf32, #tpu.memory_space<hbm>> -> memref<5x1024xf32, #tpu.memory_space<hbm>>
        tpu.enqueue_indirect_dma source(%dma_start3A_114 : memref<5x1024xf32, #tpu.memory_space<hbm>>) target(%arg15 : memref<16x1024xf32, #tpu.memory_space<vmem>>) offsets(%gather3A_112 : vector<16xi32>) semaphore(%arg20 : memref<!tpu.dma_semaphore, #tpu.memory_space<semaphore_mem>>)
        %dma_wait3A = arith.constant 0 : i32
        %dma_wait3A_115 = arith.constant 0 : i32
        %dma_wait3A_116 = tpu.memref_slice %arg3[%dma_wait3A, %dma_wait3A_115] : memref<5x1024xf32, #tpu.memory_space<hbm>> -> memref<5x1024xf32, #tpu.memory_space<hbm>>
        tpu.wait_indirect_dma semaphore(%arg20 : memref<!tpu.dma_semaphore, #tpu.memory_space<semaphore_mem>>) src(%dma_wait3A_116 : memref<5x1024xf32, #tpu.memory_space<hbm>>) dst(%arg15 : memref<16x1024xf32, #tpu.memory_space<vmem>>)
        %scan3A_117 = arith.constant 0 : i32
        %scan3A_118 = arith.constant 0 : i32
        %scan3A_119 = arith.constant 16 : i32
        %scan3A_120 = arith.addi %scan3A_118, %scan3A_119 : i32
        %scan3A_121 = arith.constant 1 : i32
        %scan3A_122 = scf.for %scan3A_132 = %scan3A_118 to %scan3A_120 step %scan3A_121 iter_args(%scan3A_133 = %scan3A_117) -> (i32)  : i32 {
          %mul3A_134 = arith.constant 16 : i32
          %mul3A_135 = arith.muli %while3A_104, %mul3A_134 : i32
          %add3A_136 = arith.constant 0 : i32
          %add3A_137 = arith.addi %add3A_136, %mul3A_135 : i32
          %add3A_138 = arith.addi %add3A_137, %scan3A_132 : i32
          %broadcast_in_dim3A_139 = vector.broadcast %add3A_138 : i32 to vector<16xi32>
          %gather3A_140 = tpu.vector_load_idx %arg14[%broadcast_in_dim3A_139] : memref<2640xf32, #tpu.memory_space<vmem>>[vector<16xi32>], vector<16xf32>,
          %broadcast_in_dim3A_141 = vector.broadcast %scan3A_132 : i32 to vector<16xi32>
          %broadcast_in_dim3A_142 = arith.constant 0 : i32
          %broadcast_in_dim3A_143 = vector.broadcast %broadcast_in_dim3A_142 : i32 to vector<16xi32>
          %scan3A_144 = arith.constant 0 : i32
          %scan3A_145 = arith.constant 0 : i32
          %scan3A_146 = arith.constant 64 : i32
          %scan3A_147 = arith.addi %scan3A_145, %scan3A_146 : i32
          %scan3A_148 = arith.constant 1 : i32
          %scan3A_149 = scf.for %scan3A_152 = %scan3A_145 to %scan3A_147 step %scan3A_148 iter_args(%scan3A_153 = %scan3A_144) -> (i32)  : i32 {
            %mul3A_154 = arith.constant 16 : i32
            %mul3A_155 = arith.muli %scan3A_152, %mul3A_154 : i32
            %broadcast_in_dim3A_156 = vector.broadcast %mul3A_155 : i32 to vector<16xi32>
            %add3A_157 = arith.addi %broadcast_in_dim3A_156, %iota3A : vector<16xi32>
            %gather3A_158 = tpu.vector_load_idx %arg15[%broadcast_in_dim3A_141, %add3A_157] : memref<16x1024xf32, #tpu.memory_space<vmem>>[vector<16xi32>, vector<16xi32>], vector<16xf32>,
            %gather3A_159 = tpu.vector_load_idx %arg16[%broadcast_in_dim3A_143, %add3A_157] : memref<5x1024xf32, #tpu.memory_space<vmem>>[vector<16xi32>, vector<16xi32>], vector<16xf32>,
            %add3A_160 = arith.addf %gather3A_158, %gather3A_159 : vector<16xf32>
            %mul3A_161 = arith.mulf %add3A_160, %gather3A_140 : vector<16xf32>
            tpu.vector_store_idx %arg15[%broadcast_in_dim3A_141, %add3A_157], %mul3A_161 : memref<16x1024xf32, #tpu.memory_space<vmem>>[vector<16xi32>, vector<16xi32>], vector<16xf32>,
            %scan3A_162 = arith.constant 0 : i32
            scf.yield %scan3A_162 : i32
          }
          %scan3A_150 = arith.constant 64 : i32
          %scan3A_151 = arith.constant 0 : i32
          scf.yield %scan3A_151 : i32
        }
        %scan3A_123 = arith.constant 16 : i32
        %gather3A_124 = tpu.vector_load_idx %arg13[%add3A_111] : memref<2640xi32, #tpu.memory_space<vmem>>[vector<16xi32>], vector<16xi32>,
        %dma_start3A_125 = arith.constant 0 : i32
        %dma_start3A_126 = arith.constant 0 : i32
        %dma_start3A_127 = tpu.memref_slice %arg11[%dma_start3A_125, %dma_start3A_126] : memref<16384x1024xf32, #tpu.memory_space<hbm>> -> memref<16384x1024xf32, #tpu.memory_space<hbm>>
        tpu.enqueue_indirect_dma source(%arg15 : memref<16x1024xf32, #tpu.memory_space<vmem>>) target(%dma_start3A_127 : memref<16384x1024xf32, #tpu.memory_space<hbm>>) offsets(%gather3A_124 : vector<16xi32>) semaphore(%arg20 : memref<!tpu.dma_semaphore, #tpu.memory_space<semaphore_mem>>)
        %dma_wait3A_128 = arith.constant 0 : i32
        %dma_wait3A_129 = arith.constant 0 : i32
        %dma_wait3A_130 = tpu.memref_slice %arg11[%dma_wait3A_128, %dma_wait3A_129] : memref<16384x1024xf32, #tpu.memory_space<hbm>> -> memref<16384x1024xf32, #tpu.memory_space<hbm>>
        tpu.wait_indirect_dma semaphore(%arg20 : memref<!tpu.dma_semaphore, #tpu.memory_space<semaphore_mem>>) src(%arg15 : memref<16x1024xf32, #tpu.memory_space<vmem>>) dst(%dma_wait3A_130 : memref<16384x1024xf32, #tpu.memory_space<hbm>>)
        %while3A_131 = arith.constant 0 : i32
        scf.yield %while3A_131 : i32
      }
    } else {
    }
    %reduce_max3A_27 = arith.constant true
    %reduce_max3A_28 = vector.broadcast %reduce_max3A_27 : i1 to vector<16xi1>
    %reduce_max3A_29 = arith.constant -2147483648 : i32
    %reduce_max3A_30 = vector.broadcast %reduce_max3A_29 : i32 to vector<16xi32>
    %reduce_max3A_31 = arith.xori %scan3A_16#1, %reduce_max3A_30 : vector<16xi32>
    %reduce_max3A_32 = tpu.scan <max>, %reduce_max3A_31 masked %reduce_max3A_28 : vector<16xi32>, vector<16xi1> -> vector<16xi32>
    %reduce_max3A_33 = arith.xori %reduce_max3A_32, %reduce_max3A_30 : vector<16xi32>
    %reduce_max3A_34 = vector.extract %reduce_max3A_33[15] : i32 from vector<16xi32>
    %gt3A_35 = arith.constant 0 : i32
    %gt3A_36 = arith.cmpi sgt, %reduce_max3A_34, %gt3A_35 : i32
    %convert_element_type3A_37 = arith.extui %gt3A_36 : i1 to i32
    %cond3A_38 = arith.constant 0 : i32
    %cond3A_39 = arith.cmpi ne, %convert_element_type3A_37, %cond3A_38 : i32
    scf.if %cond3A_39 {
      %broadcast_in_dim3A_79 = arith.constant 528 : i32
      %broadcast_in_dim3A_80 = vector.broadcast %broadcast_in_dim3A_79 : i32 to vector<16xi32>
      %add3A_81 = arith.addi %broadcast_in_dim3A_80, %scan3A_16#1 : vector<16xi32>
      %sub3A = arith.constant 1 : i32
      %sub3A_82 = vector.broadcast %sub3A : i32 to vector<16xi32>
      %sub3A_83 = arith.subi %add3A_81, %sub3A_82 : vector<16xi32>
      %broadcast_in_dim3A_84 = arith.constant 528 : i32
      %broadcast_in_dim3A_85 = vector.broadcast %broadcast_in_dim3A_84 : i32 to vector<16xi32>
      %add3A_86 = arith.addi %broadcast_in_dim3A_85, %scan3A_16#1 : vector<16xi32>
      %add3A_87 = arith.addi %add3A_86, %iota3A : vector<16xi32>
      %gather3A = tpu.vector_load_idx %arg12[%sub3A_83] : memref<2640xi32, #tpu.memory_space<vmem>>[vector<16xi32>], vector<16xi32>,
      tpu.vector_store_idx %arg12[%add3A_87], %gather3A : memref<2640xi32, #tpu.memory_space<vmem>>[vector<16xi32>], vector<16xi32>,
      %gather3A_88 = tpu.vector_load_idx %arg13[%sub3A_83] : memref<2640xi32, #tpu.memory_space<vmem>>[vector<16xi32>], vector<16xi32>,
      tpu.vector_store_idx %arg13[%add3A_87], %gather3A_88 : memref<2640xi32, #tpu.memory_space<vmem>>[vector<16xi32>], vector<16xi32>,
      %gather3A_89 = tpu.vector_load_idx %arg14[%sub3A_83] : memref<2640xf32, #tpu.memory_space<vmem>>[vector<16xi32>], vector<16xf32>,
      tpu.vector_store_idx %arg14[%add3A_87], %gather3A_89 : memref<2640xf32, #tpu.memory_space<vmem>>[vector<16xi32>], vector<16xf32>,
      %add3A_90 = arith.constant 15 : i32
      %add3A_91 = arith.addi %reduce_max3A_34, %add3A_90 : i32
      %shift_right_arithmetic3A = arith.constant 4 : i32
      %shift_right_arithmetic3A_92 = arith.shrsi %add3A_91, %shift_right_arithmetic3A : i32
      %while3A = arith.constant 0 : i32
      %while3A_93 = arith.constant 0 : i32
      %while3A_94 = arith.subi %shift_right_arithmetic3A_92, %while3A : i32
      %while3A_95 = arith.addi %while3A, %while3A_94 : i32
      %while3A_96 = arith.constant 1 : i32
      %while3A_97 = arith.divsi %while3A_94, %while3A_96 : i32
      %while3A_98 = arith.muli %while3A_97, %while3A_96 : i32
      %while3A_99 = arith.addi %while3A, %while3A_98 : i32
      %while3A_100 = arith.constant 1 : i32
      %while3A_101 = scf.for %while3A_104 = %while3A to %while3A_99 step %while3A_100 iter_args(%while3A_105 = %while3A_93) -> (i32)  : i32 {
        %mul3A_106 = arith.constant 16 : i32
        %mul3A_107 = arith.muli %while3A_104, %mul3A_106 : i32
        %add3A_108 = arith.constant 528 : i32
        %add3A_109 = arith.addi %add3A_108, %mul3A_107 : i32
        %broadcast_in_dim3A_110 = vector.broadcast %add3A_109 : i32 to vector<16xi32>
        %add3A_111 = arith.addi %broadcast_in_dim3A_110, %iota3A : vector<16xi32>
        %gather3A_112 = tpu.vector_load_idx %arg12[%add3A_111] : memref<2640xi32, #tpu.memory_space<vmem>>[vector<16xi32>], vector<16xi32>,
        %dma_start3A = arith.constant 0 : i32
        %dma_start3A_113 = arith.constant 0 : i32
        %dma_start3A_114 = tpu.memref_slice %arg4[%dma_start3A, %dma_start3A_113] : memref<50x1024xf32, #tpu.memory_space<hbm>> -> memref<50x1024xf32, #tpu.memory_space<hbm>>
        tpu.enqueue_indirect_dma source(%dma_start3A_114 : memref<50x1024xf32, #tpu.memory_space<hbm>>) target(%arg15 : memref<16x1024xf32, #tpu.memory_space<vmem>>) offsets(%gather3A_112 : vector<16xi32>) semaphore(%arg20 : memref<!tpu.dma_semaphore, #tpu.memory_space<semaphore_mem>>)
        %dma_wait3A = arith.constant 0 : i32
        %dma_wait3A_115 = arith.constant 0 : i32
        %dma_wait3A_116 = tpu.memref_slice %arg4[%dma_wait3A, %dma_wait3A_115] : memref<50x1024xf32, #tpu.memory_space<hbm>> -> memref<50x1024xf32, #tpu.memory_space<hbm>>
        tpu.wait_indirect_dma semaphore(%arg20 : memref<!tpu.dma_semaphore, #tpu.memory_space<semaphore_mem>>) src(%dma_wait3A_116 : memref<50x1024xf32, #tpu.memory_space<hbm>>) dst(%arg15 : memref<16x1024xf32, #tpu.memory_space<vmem>>)
        %scan3A_117 = arith.constant 0 : i32
        %scan3A_118 = arith.constant 0 : i32
        %scan3A_119 = arith.constant 16 : i32
        %scan3A_120 = arith.addi %scan3A_118, %scan3A_119 : i32
        %scan3A_121 = arith.constant 1 : i32
        %scan3A_122 = scf.for %scan3A_132 = %scan3A_118 to %scan3A_120 step %scan3A_121 iter_args(%scan3A_133 = %scan3A_117) -> (i32)  : i32 {
          %mul3A_134 = arith.constant 16 : i32
          %mul3A_135 = arith.muli %while3A_104, %mul3A_134 : i32
          %add3A_136 = arith.constant 528 : i32
          %add3A_137 = arith.addi %add3A_136, %mul3A_135 : i32
          %add3A_138 = arith.addi %add3A_137, %scan3A_132 : i32
          %broadcast_in_dim3A_139 = vector.broadcast %add3A_138 : i32 to vector<16xi32>
          %gather3A_140 = tpu.vector_load_idx %arg14[%broadcast_in_dim3A_139] : memref<2640xf32, #tpu.memory_space<vmem>>[vector<16xi32>], vector<16xf32>,
          %broadcast_in_dim3A_141 = vector.broadcast %scan3A_132 : i32 to vector<16xi32>
          %broadcast_in_dim3A_142 = arith.constant 1 : i32
          %broadcast_in_dim3A_143 = vector.broadcast %broadcast_in_dim3A_142 : i32 to vector<16xi32>
          %scan3A_144 = arith.constant 0 : i32
          %scan3A_145 = arith.constant 0 : i32
          %scan3A_146 = arith.constant 64 : i32
          %scan3A_147 = arith.addi %scan3A_145, %scan3A_146 : i32
          %scan3A_148 = arith.constant 1 : i32
          %scan3A_149 = scf.for %scan3A_152 = %scan3A_145 to %scan3A_147 step %scan3A_148 iter_args(%scan3A_153 = %scan3A_144) -> (i32)  : i32 {
            %mul3A_154 = arith.constant 16 : i32
            %mul3A_155 = arith.muli %scan3A_152, %mul3A_154 : i32
            %broadcast_in_dim3A_156 = vector.broadcast %mul3A_155 : i32 to vector<16xi32>
            %add3A_157 = arith.addi %broadcast_in_dim3A_156, %iota3A : vector<16xi32>
            %gather3A_158 = tpu.vector_load_idx %arg15[%broadcast_in_dim3A_141, %add3A_157] : memref<16x1024xf32, #tpu.memory_space<vmem>>[vector<16xi32>, vector<16xi32>], vector<16xf32>,
            %gather3A_159 = tpu.vector_load_idx %arg16[%broadcast_in_dim3A_143, %add3A_157] : memref<5x1024xf32, #tpu.memory_space<vmem>>[vector<16xi32>, vector<16xi32>], vector<16xf32>,
            %add3A_160 = arith.addf %gather3A_158, %gather3A_159 : vector<16xf32>
            %mul3A_161 = arith.mulf %add3A_160, %gather3A_140 : vector<16xf32>
            tpu.vector_store_idx %arg15[%broadcast_in_dim3A_141, %add3A_157], %mul3A_161 : memref<16x1024xf32, #tpu.memory_space<vmem>>[vector<16xi32>, vector<16xi32>], vector<16xf32>,
            %scan3A_162 = arith.constant 0 : i32
            scf.yield %scan3A_162 : i32
          }
          %scan3A_150 = arith.constant 64 : i32
          %scan3A_151 = arith.constant 0 : i32
          scf.yield %scan3A_151 : i32
        }
        %scan3A_123 = arith.constant 16 : i32
        %gather3A_124 = tpu.vector_load_idx %arg13[%add3A_111] : memref<2640xi32, #tpu.memory_space<vmem>>[vector<16xi32>], vector<16xi32>,
        %dma_start3A_125 = arith.constant 0 : i32
        %dma_start3A_126 = arith.constant 0 : i32
        %dma_start3A_127 = tpu.memref_slice %arg11[%dma_start3A_125, %dma_start3A_126] : memref<16384x1024xf32, #tpu.memory_space<hbm>> -> memref<16384x1024xf32, #tpu.memory_space<hbm>>
        tpu.enqueue_indirect_dma source(%arg15 : memref<16x1024xf32, #tpu.memory_space<vmem>>) target(%dma_start3A_127 : memref<16384x1024xf32, #tpu.memory_space<hbm>>) offsets(%gather3A_124 : vector<16xi32>) semaphore(%arg20 : memref<!tpu.dma_semaphore, #tpu.memory_space<semaphore_mem>>)
        %dma_wait3A_128 = arith.constant 0 : i32
        %dma_wait3A_129 = arith.constant 0 : i32
        %dma_wait3A_130 = tpu.memref_slice %arg11[%dma_wait3A_128, %dma_wait3A_129] : memref<16384x1024xf32, #tpu.memory_space<hbm>> -> memref<16384x1024xf32, #tpu.memory_space<hbm>>
        tpu.wait_indirect_dma semaphore(%arg20 : memref<!tpu.dma_semaphore, #tpu.memory_space<semaphore_mem>>) src(%arg15 : memref<16x1024xf32, #tpu.memory_space<vmem>>) dst(%dma_wait3A_130 : memref<16384x1024xf32, #tpu.memory_space<hbm>>)
        %while3A_131 = arith.constant 0 : i32
        scf.yield %while3A_131 : i32
      }
      %while3A_102 = arith.constant 1 : i32
      %while3A_103 = scf.for %while3A_104 = %while3A_99 to %while3A_95 step %while3A_102 iter_args(%while3A_105 = %while3A_101) -> (i32)  : i32 {
        %mul3A_106 = arith.constant 16 : i32
        %mul3A_107 = arith.muli %while3A_104, %mul3A_106 : i32
        %add3A_108 = arith.constant 528 : i32
        %add3A_109 = arith.addi %add3A_108, %mul3A_107 : i32
        %broadcast_in_dim3A_110 = vector.broadcast %add3A_109 : i32 to vector<16xi32>
        %add3A_111 = arith.addi %broadcast_in_dim3A_110, %iota3A : vector<16xi32>
        %gather3A_112 = tpu.vector_load_idx %arg12[%add3A_111] : memref<2640xi32, #tpu.memory_space<vmem>>[vector<16xi32>], vector<16xi32>,
        %dma_start3A = arith.constant 0 : i32
        %dma_start3A_113 = arith.constant 0 : i32
        %dma_start3A_114 = tpu.memref_slice %arg4[%dma_start3A, %dma_start3A_113] : memref<50x1024xf32, #tpu.memory_space<hbm>> -> memref<50x1024xf32, #tpu.memory_space<hbm>>
        tpu.enqueue_indirect_dma source(%dma_start3A_114 : memref<50x1024xf32, #tpu.memory_space<hbm>>) target(%arg15 : memref<16x1024xf32, #tpu.memory_space<vmem>>) offsets(%gather3A_112 : vector<16xi32>) semaphore(%arg20 : memref<!tpu.dma_semaphore, #tpu.memory_space<semaphore_mem>>)
        %dma_wait3A = arith.constant 0 : i32
        %dma_wait3A_115 = arith.constant 0 : i32
        %dma_wait3A_116 = tpu.memref_slice %arg4[%dma_wait3A, %dma_wait3A_115] : memref<50x1024xf32, #tpu.memory_space<hbm>> -> memref<50x1024xf32, #tpu.memory_space<hbm>>
        tpu.wait_indirect_dma semaphore(%arg20 : memref<!tpu.dma_semaphore, #tpu.memory_space<semaphore_mem>>) src(%dma_wait3A_116 : memref<50x1024xf32, #tpu.memory_space<hbm>>) dst(%arg15 : memref<16x1024xf32, #tpu.memory_space<vmem>>)
        %scan3A_117 = arith.constant 0 : i32
        %scan3A_118 = arith.constant 0 : i32
        %scan3A_119 = arith.constant 16 : i32
        %scan3A_120 = arith.addi %scan3A_118, %scan3A_119 : i32
        %scan3A_121 = arith.constant 1 : i32
        %scan3A_122 = scf.for %scan3A_132 = %scan3A_118 to %scan3A_120 step %scan3A_121 iter_args(%scan3A_133 = %scan3A_117) -> (i32)  : i32 {
          %mul3A_134 = arith.constant 16 : i32
          %mul3A_135 = arith.muli %while3A_104, %mul3A_134 : i32
          %add3A_136 = arith.constant 528 : i32
          %add3A_137 = arith.addi %add3A_136, %mul3A_135 : i32
          %add3A_138 = arith.addi %add3A_137, %scan3A_132 : i32
          %broadcast_in_dim3A_139 = vector.broadcast %add3A_138 : i32 to vector<16xi32>
          %gather3A_140 = tpu.vector_load_idx %arg14[%broadcast_in_dim3A_139] : memref<2640xf32, #tpu.memory_space<vmem>>[vector<16xi32>], vector<16xf32>,
          %broadcast_in_dim3A_141 = vector.broadcast %scan3A_132 : i32 to vector<16xi32>
          %broadcast_in_dim3A_142 = arith.constant 1 : i32
          %broadcast_in_dim3A_143 = vector.broadcast %broadcast_in_dim3A_142 : i32 to vector<16xi32>
          %scan3A_144 = arith.constant 0 : i32
          %scan3A_145 = arith.constant 0 : i32
          %scan3A_146 = arith.constant 64 : i32
          %scan3A_147 = arith.addi %scan3A_145, %scan3A_146 : i32
          %scan3A_148 = arith.constant 1 : i32
          %scan3A_149 = scf.for %scan3A_152 = %scan3A_145 to %scan3A_147 step %scan3A_148 iter_args(%scan3A_153 = %scan3A_144) -> (i32)  : i32 {
            %mul3A_154 = arith.constant 16 : i32
            %mul3A_155 = arith.muli %scan3A_152, %mul3A_154 : i32
            %broadcast_in_dim3A_156 = vector.broadcast %mul3A_155 : i32 to vector<16xi32>
            %add3A_157 = arith.addi %broadcast_in_dim3A_156, %iota3A : vector<16xi32>
            %gather3A_158 = tpu.vector_load_idx %arg15[%broadcast_in_dim3A_141, %add3A_157] : memref<16x1024xf32, #tpu.memory_space<vmem>>[vector<16xi32>, vector<16xi32>], vector<16xf32>,
            %gather3A_159 = tpu.vector_load_idx %arg16[%broadcast_in_dim3A_143, %add3A_157] : memref<5x1024xf32, #tpu.memory_space<vmem>>[vector<16xi32>, vector<16xi32>], vector<16xf32>,
            %add3A_160 = arith.addf %gather3A_158, %gather3A_159 : vector<16xf32>
            %mul3A_161 = arith.mulf %add3A_160, %gather3A_140 : vector<16xf32>
            tpu.vector_store_idx %arg15[%broadcast_in_dim3A_141, %add3A_157], %mul3A_161 : memref<16x1024xf32, #tpu.memory_space<vmem>>[vector<16xi32>, vector<16xi32>], vector<16xf32>,
            %scan3A_162 = arith.constant 0 : i32
            scf.yield %scan3A_162 : i32
          }
          %scan3A_150 = arith.constant 64 : i32
          %scan3A_151 = arith.constant 0 : i32
          scf.yield %scan3A_151 : i32
        }
        %scan3A_123 = arith.constant 16 : i32
        %gather3A_124 = tpu.vector_load_idx %arg13[%add3A_111] : memref<2640xi32, #tpu.memory_space<vmem>>[vector<16xi32>], vector<16xi32>,
        %dma_start3A_125 = arith.constant 0 : i32
        %dma_start3A_126 = arith.constant 0 : i32
        %dma_start3A_127 = tpu.memref_slice %arg11[%dma_start3A_125, %dma_start3A_126] : memref<16384x1024xf32, #tpu.memory_space<hbm>> -> memref<16384x1024xf32, #tpu.memory_space<hbm>>
        tpu.enqueue_indirect_dma source(%arg15 : memref<16x1024xf32, #tpu.memory_space<vmem>>) target(%dma_start3A_127 : memref<16384x1024xf32, #tpu.memory_space<hbm>>) offsets(%gather3A_124 : vector<16xi32>) semaphore(%arg20 : memref<!tpu.dma_semaphore, #tpu.memory_space<semaphore_mem>>)
        %dma_wait3A_128 = arith.constant 0 : i32
        %dma_wait3A_129 = arith.constant 0 : i32
        %dma_wait3A_130 = tpu.memref_slice %arg11[%dma_wait3A_128, %dma_wait3A_129] : memref<16384x1024xf32, #tpu.memory_space<hbm>> -> memref<16384x1024xf32, #tpu.memory_space<hbm>>
        tpu.wait_indirect_dma semaphore(%arg20 : memref<!tpu.dma_semaphore, #tpu.memory_space<semaphore_mem>>) src(%arg15 : memref<16x1024xf32, #tpu.memory_space<vmem>>) dst(%dma_wait3A_130 : memref<16384x1024xf32, #tpu.memory_space<hbm>>)
        %while3A_131 = arith.constant 0 : i32
        scf.yield %while3A_131 : i32
      }
    } else {
    }
    %reduce_max3A_40 = arith.constant true
    %reduce_max3A_41 = vector.broadcast %reduce_max3A_40 : i1 to vector<16xi1>
    %reduce_max3A_42 = arith.constant -2147483648 : i32
    %reduce_max3A_43 = vector.broadcast %reduce_max3A_42 : i32 to vector<16xi32>
    %reduce_max3A_44 = arith.xori %scan3A_16#2, %reduce_max3A_43 : vector<16xi32>
    %reduce_max3A_45 = tpu.scan <max>, %reduce_max3A_44 masked %reduce_max3A_41 : vector<16xi32>, vector<16xi1> -> vector<16xi32>
    %reduce_max3A_46 = arith.xori %reduce_max3A_45, %reduce_max3A_43 : vector<16xi32>
    %reduce_max3A_47 = vector.extract %reduce_max3A_46[15] : i32 from vector<16xi32>
    %gt3A_48 = arith.constant 0 : i32
    %gt3A_49 = arith.cmpi sgt, %reduce_max3A_47, %gt3A_48 : i32
    %convert_element_type3A_50 = arith.extui %gt3A_49 : i1 to i32
    %cond3A_51 = arith.constant 0 : i32
    %cond3A_52 = arith.cmpi ne, %convert_element_type3A_50, %cond3A_51 : i32
    scf.if %cond3A_52 {
      %broadcast_in_dim3A_79 = arith.constant 1056 : i32
      %broadcast_in_dim3A_80 = vector.broadcast %broadcast_in_dim3A_79 : i32 to vector<16xi32>
      %add3A_81 = arith.addi %broadcast_in_dim3A_80, %scan3A_16#2 : vector<16xi32>
      %sub3A = arith.constant 1 : i32
      %sub3A_82 = vector.broadcast %sub3A : i32 to vector<16xi32>
      %sub3A_83 = arith.subi %add3A_81, %sub3A_82 : vector<16xi32>
      %broadcast_in_dim3A_84 = arith.constant 1056 : i32
      %broadcast_in_dim3A_85 = vector.broadcast %broadcast_in_dim3A_84 : i32 to vector<16xi32>
      %add3A_86 = arith.addi %broadcast_in_dim3A_85, %scan3A_16#2 : vector<16xi32>
      %add3A_87 = arith.addi %add3A_86, %iota3A : vector<16xi32>
      %gather3A = tpu.vector_load_idx %arg12[%sub3A_83] : memref<2640xi32, #tpu.memory_space<vmem>>[vector<16xi32>], vector<16xi32>,
      tpu.vector_store_idx %arg12[%add3A_87], %gather3A : memref<2640xi32, #tpu.memory_space<vmem>>[vector<16xi32>], vector<16xi32>,
      %gather3A_88 = tpu.vector_load_idx %arg13[%sub3A_83] : memref<2640xi32, #tpu.memory_space<vmem>>[vector<16xi32>], vector<16xi32>,
      tpu.vector_store_idx %arg13[%add3A_87], %gather3A_88 : memref<2640xi32, #tpu.memory_space<vmem>>[vector<16xi32>], vector<16xi32>,
      %gather3A_89 = tpu.vector_load_idx %arg14[%sub3A_83] : memref<2640xf32, #tpu.memory_space<vmem>>[vector<16xi32>], vector<16xf32>,
      tpu.vector_store_idx %arg14[%add3A_87], %gather3A_89 : memref<2640xf32, #tpu.memory_space<vmem>>[vector<16xi32>], vector<16xf32>,
      %add3A_90 = arith.constant 15 : i32
      %add3A_91 = arith.addi %reduce_max3A_47, %add3A_90 : i32
      %shift_right_arithmetic3A = arith.constant 4 : i32
      %shift_right_arithmetic3A_92 = arith.shrsi %add3A_91, %shift_right_arithmetic3A : i32
      %while3A = arith.constant 0 : i32
      %while3A_93 = arith.constant 0 : i32
      %while3A_94 = arith.subi %shift_right_arithmetic3A_92, %while3A : i32
      %while3A_95 = arith.addi %while3A, %while3A_94 : i32
      %while3A_96 = arith.constant 1 : i32
      %while3A_97 = arith.divsi %while3A_94, %while3A_96 : i32
      %while3A_98 = arith.muli %while3A_97, %while3A_96 : i32
      %while3A_99 = arith.addi %while3A, %while3A_98 : i32
      %while3A_100 = arith.constant 1 : i32
      %while3A_101 = scf.for %while3A_104 = %while3A to %while3A_99 step %while3A_100 iter_args(%while3A_105 = %while3A_93) -> (i32)  : i32 {
        %mul3A_106 = arith.constant 16 : i32
        %mul3A_107 = arith.muli %while3A_104, %mul3A_106 : i32
        %add3A_108 = arith.constant 1056 : i32
        %add3A_109 = arith.addi %add3A_108, %mul3A_107 : i32
        %broadcast_in_dim3A_110 = vector.broadcast %add3A_109 : i32 to vector<16xi32>
        %add3A_111 = arith.addi %broadcast_in_dim3A_110, %iota3A : vector<16xi32>
        %gather3A_112 = tpu.vector_load_idx %arg12[%add3A_111] : memref<2640xi32, #tpu.memory_space<vmem>>[vector<16xi32>], vector<16xi32>,
        %dma_start3A = arith.constant 0 : i32
        %dma_start3A_113 = arith.constant 0 : i32
        %dma_start3A_114 = tpu.memref_slice %arg5[%dma_start3A, %dma_start3A_113] : memref<550x1024xf32, #tpu.memory_space<hbm>> -> memref<550x1024xf32, #tpu.memory_space<hbm>>
        tpu.enqueue_indirect_dma source(%dma_start3A_114 : memref<550x1024xf32, #tpu.memory_space<hbm>>) target(%arg15 : memref<16x1024xf32, #tpu.memory_space<vmem>>) offsets(%gather3A_112 : vector<16xi32>) semaphore(%arg20 : memref<!tpu.dma_semaphore, #tpu.memory_space<semaphore_mem>>)
        %dma_wait3A = arith.constant 0 : i32
        %dma_wait3A_115 = arith.constant 0 : i32
        %dma_wait3A_116 = tpu.memref_slice %arg5[%dma_wait3A, %dma_wait3A_115] : memref<550x1024xf32, #tpu.memory_space<hbm>> -> memref<550x1024xf32, #tpu.memory_space<hbm>>
        tpu.wait_indirect_dma semaphore(%arg20 : memref<!tpu.dma_semaphore, #tpu.memory_space<semaphore_mem>>) src(%dma_wait3A_116 : memref<550x1024xf32, #tpu.memory_space<hbm>>) dst(%arg15 : memref<16x1024xf32, #tpu.memory_space<vmem>>)
        %scan3A_117 = arith.constant 0 : i32
        %scan3A_118 = arith.constant 0 : i32
        %scan3A_119 = arith.constant 16 : i32
        %scan3A_120 = arith.addi %scan3A_118, %scan3A_119 : i32
        %scan3A_121 = arith.constant 1 : i32
        %scan3A_122 = scf.for %scan3A_132 = %scan3A_118 to %scan3A_120 step %scan3A_121 iter_args(%scan3A_133 = %scan3A_117) -> (i32)  : i32 {
          %mul3A_134 = arith.constant 16 : i32
          %mul3A_135 = arith.muli %while3A_104, %mul3A_134 : i32
          %add3A_136 = arith.constant 1056 : i32
          %add3A_137 = arith.addi %add3A_136, %mul3A_135 : i32
          %add3A_138 = arith.addi %add3A_137, %scan3A_132 : i32
          %broadcast_in_dim3A_139 = vector.broadcast %add3A_138 : i32 to vector<16xi32>
          %gather3A_140 = tpu.vector_load_idx %arg14[%broadcast_in_dim3A_139] : memref<2640xf32, #tpu.memory_space<vmem>>[vector<16xi32>], vector<16xf32>,
          %broadcast_in_dim3A_141 = vector.broadcast %scan3A_132 : i32 to vector<16xi32>
          %broadcast_in_dim3A_142 = arith.constant 2 : i32
          %broadcast_in_dim3A_143 = vector.broadcast %broadcast_in_dim3A_142 : i32 to vector<16xi32>
          %scan3A_144 = arith.constant 0 : i32
          %scan3A_145 = arith.constant 0 : i32
          %scan3A_146 = arith.constant 64 : i32
          %scan3A_147 = arith.addi %scan3A_145, %scan3A_146 : i32
          %scan3A_148 = arith.constant 1 : i32
          %scan3A_149 = scf.for %scan3A_152 = %scan3A_145 to %scan3A_147 step %scan3A_148 iter_args(%scan3A_153 = %scan3A_144) -> (i32)  : i32 {
            %mul3A_154 = arith.constant 16 : i32
            %mul3A_155 = arith.muli %scan3A_152, %mul3A_154 : i32
            %broadcast_in_dim3A_156 = vector.broadcast %mul3A_155 : i32 to vector<16xi32>
            %add3A_157 = arith.addi %broadcast_in_dim3A_156, %iota3A : vector<16xi32>
            %gather3A_158 = tpu.vector_load_idx %arg15[%broadcast_in_dim3A_141, %add3A_157] : memref<16x1024xf32, #tpu.memory_space<vmem>>[vector<16xi32>, vector<16xi32>], vector<16xf32>,
            %gather3A_159 = tpu.vector_load_idx %arg16[%broadcast_in_dim3A_143, %add3A_157] : memref<5x1024xf32, #tpu.memory_space<vmem>>[vector<16xi32>, vector<16xi32>], vector<16xf32>,
            %add3A_160 = arith.addf %gather3A_158, %gather3A_159 : vector<16xf32>
            %mul3A_161 = arith.mulf %add3A_160, %gather3A_140 : vector<16xf32>
            tpu.vector_store_idx %arg15[%broadcast_in_dim3A_141, %add3A_157], %mul3A_161 : memref<16x1024xf32, #tpu.memory_space<vmem>>[vector<16xi32>, vector<16xi32>], vector<16xf32>,
            %scan3A_162 = arith.constant 0 : i32
            scf.yield %scan3A_162 : i32
          }
          %scan3A_150 = arith.constant 64 : i32
          %scan3A_151 = arith.constant 0 : i32
          scf.yield %scan3A_151 : i32
        }
        %scan3A_123 = arith.constant 16 : i32
        %gather3A_124 = tpu.vector_load_idx %arg13[%add3A_111] : memref<2640xi32, #tpu.memory_space<vmem>>[vector<16xi32>], vector<16xi32>,
        %dma_start3A_125 = arith.constant 0 : i32
        %dma_start3A_126 = arith.constant 0 : i32
        %dma_start3A_127 = tpu.memref_slice %arg11[%dma_start3A_125, %dma_start3A_126] : memref<16384x1024xf32, #tpu.memory_space<hbm>> -> memref<16384x1024xf32, #tpu.memory_space<hbm>>
        tpu.enqueue_indirect_dma source(%arg15 : memref<16x1024xf32, #tpu.memory_space<vmem>>) target(%dma_start3A_127 : memref<16384x1024xf32, #tpu.memory_space<hbm>>) offsets(%gather3A_124 : vector<16xi32>) semaphore(%arg20 : memref<!tpu.dma_semaphore, #tpu.memory_space<semaphore_mem>>)
        %dma_wait3A_128 = arith.constant 0 : i32
        %dma_wait3A_129 = arith.constant 0 : i32
        %dma_wait3A_130 = tpu.memref_slice %arg11[%dma_wait3A_128, %dma_wait3A_129] : memref<16384x1024xf32, #tpu.memory_space<hbm>> -> memref<16384x1024xf32, #tpu.memory_space<hbm>>
        tpu.wait_indirect_dma semaphore(%arg20 : memref<!tpu.dma_semaphore, #tpu.memory_space<semaphore_mem>>) src(%arg15 : memref<16x1024xf32, #tpu.memory_space<vmem>>) dst(%dma_wait3A_130 : memref<16384x1024xf32, #tpu.memory_space<hbm>>)
        %while3A_131 = arith.constant 0 : i32
        scf.yield %while3A_131 : i32
      }
      %while3A_102 = arith.constant 1 : i32
      %while3A_103 = scf.for %while3A_104 = %while3A_99 to %while3A_95 step %while3A_102 iter_args(%while3A_105 = %while3A_101) -> (i32)  : i32 {
        %mul3A_106 = arith.constant 16 : i32
        %mul3A_107 = arith.muli %while3A_104, %mul3A_106 : i32
        %add3A_108 = arith.constant 1056 : i32
        %add3A_109 = arith.addi %add3A_108, %mul3A_107 : i32
        %broadcast_in_dim3A_110 = vector.broadcast %add3A_109 : i32 to vector<16xi32>
        %add3A_111 = arith.addi %broadcast_in_dim3A_110, %iota3A : vector<16xi32>
        %gather3A_112 = tpu.vector_load_idx %arg12[%add3A_111] : memref<2640xi32, #tpu.memory_space<vmem>>[vector<16xi32>], vector<16xi32>,
        %dma_start3A = arith.constant 0 : i32
        %dma_start3A_113 = arith.constant 0 : i32
        %dma_start3A_114 = tpu.memref_slice %arg5[%dma_start3A, %dma_start3A_113] : memref<550x1024xf32, #tpu.memory_space<hbm>> -> memref<550x1024xf32, #tpu.memory_space<hbm>>
        tpu.enqueue_indirect_dma source(%dma_start3A_114 : memref<550x1024xf32, #tpu.memory_space<hbm>>) target(%arg15 : memref<16x1024xf32, #tpu.memory_space<vmem>>) offsets(%gather3A_112 : vector<16xi32>) semaphore(%arg20 : memref<!tpu.dma_semaphore, #tpu.memory_space<semaphore_mem>>)
        %dma_wait3A = arith.constant 0 : i32
        %dma_wait3A_115 = arith.constant 0 : i32
        %dma_wait3A_116 = tpu.memref_slice %arg5[%dma_wait3A, %dma_wait3A_115] : memref<550x1024xf32, #tpu.memory_space<hbm>> -> memref<550x1024xf32, #tpu.memory_space<hbm>>
        tpu.wait_indirect_dma semaphore(%arg20 : memref<!tpu.dma_semaphore, #tpu.memory_space<semaphore_mem>>) src(%dma_wait3A_116 : memref<550x1024xf32, #tpu.memory_space<hbm>>) dst(%arg15 : memref<16x1024xf32, #tpu.memory_space<vmem>>)
        %scan3A_117 = arith.constant 0 : i32
        %scan3A_118 = arith.constant 0 : i32
        %scan3A_119 = arith.constant 16 : i32
        %scan3A_120 = arith.addi %scan3A_118, %scan3A_119 : i32
        %scan3A_121 = arith.constant 1 : i32
        %scan3A_122 = scf.for %scan3A_132 = %scan3A_118 to %scan3A_120 step %scan3A_121 iter_args(%scan3A_133 = %scan3A_117) -> (i32)  : i32 {
          %mul3A_134 = arith.constant 16 : i32
          %mul3A_135 = arith.muli %while3A_104, %mul3A_134 : i32
          %add3A_136 = arith.constant 1056 : i32
          %add3A_137 = arith.addi %add3A_136, %mul3A_135 : i32
          %add3A_138 = arith.addi %add3A_137, %scan3A_132 : i32
          %broadcast_in_dim3A_139 = vector.broadcast %add3A_138 : i32 to vector<16xi32>
          %gather3A_140 = tpu.vector_load_idx %arg14[%broadcast_in_dim3A_139] : memref<2640xf32, #tpu.memory_space<vmem>>[vector<16xi32>], vector<16xf32>,
          %broadcast_in_dim3A_141 = vector.broadcast %scan3A_132 : i32 to vector<16xi32>
          %broadcast_in_dim3A_142 = arith.constant 2 : i32
          %broadcast_in_dim3A_143 = vector.broadcast %broadcast_in_dim3A_142 : i32 to vector<16xi32>
          %scan3A_144 = arith.constant 0 : i32
          %scan3A_145 = arith.constant 0 : i32
          %scan3A_146 = arith.constant 64 : i32
          %scan3A_147 = arith.addi %scan3A_145, %scan3A_146 : i32
          %scan3A_148 = arith.constant 1 : i32
          %scan3A_149 = scf.for %scan3A_152 = %scan3A_145 to %scan3A_147 step %scan3A_148 iter_args(%scan3A_153 = %scan3A_144) -> (i32)  : i32 {
            %mul3A_154 = arith.constant 16 : i32
            %mul3A_155 = arith.muli %scan3A_152, %mul3A_154 : i32
            %broadcast_in_dim3A_156 = vector.broadcast %mul3A_155 : i32 to vector<16xi32>
            %add3A_157 = arith.addi %broadcast_in_dim3A_156, %iota3A : vector<16xi32>
            %gather3A_158 = tpu.vector_load_idx %arg15[%broadcast_in_dim3A_141, %add3A_157] : memref<16x1024xf32, #tpu.memory_space<vmem>>[vector<16xi32>, vector<16xi32>], vector<16xf32>,
            %gather3A_159 = tpu.vector_load_idx %arg16[%broadcast_in_dim3A_143, %add3A_157] : memref<5x1024xf32, #tpu.memory_space<vmem>>[vector<16xi32>, vector<16xi32>], vector<16xf32>,
            %add3A_160 = arith.addf %gather3A_158, %gather3A_159 : vector<16xf32>
            %mul3A_161 = arith.mulf %add3A_160, %gather3A_140 : vector<16xf32>
            tpu.vector_store_idx %arg15[%broadcast_in_dim3A_141, %add3A_157], %mul3A_161 : memref<16x1024xf32, #tpu.memory_space<vmem>>[vector<16xi32>, vector<16xi32>], vector<16xf32>,
            %scan3A_162 = arith.constant 0 : i32
            scf.yield %scan3A_162 : i32
          }
          %scan3A_150 = arith.constant 64 : i32
          %scan3A_151 = arith.constant 0 : i32
          scf.yield %scan3A_151 : i32
        }
        %scan3A_123 = arith.constant 16 : i32
        %gather3A_124 = tpu.vector_load_idx %arg13[%add3A_111] : memref<2640xi32, #tpu.memory_space<vmem>>[vector<16xi32>], vector<16xi32>,
        %dma_start3A_125 = arith.constant 0 : i32
        %dma_start3A_126 = arith.constant 0 : i32
        %dma_start3A_127 = tpu.memref_slice %arg11[%dma_start3A_125, %dma_start3A_126] : memref<16384x1024xf32, #tpu.memory_space<hbm>> -> memref<16384x1024xf32, #tpu.memory_space<hbm>>
        tpu.enqueue_indirect_dma source(%arg15 : memref<16x1024xf32, #tpu.memory_space<vmem>>) target(%dma_start3A_127 : memref<16384x1024xf32, #tpu.memory_space<hbm>>) offsets(%gather3A_124 : vector<16xi32>) semaphore(%arg20 : memref<!tpu.dma_semaphore, #tpu.memory_space<semaphore_mem>>)
        %dma_wait3A_128 = arith.constant 0 : i32
        %dma_wait3A_129 = arith.constant 0 : i32
        %dma_wait3A_130 = tpu.memref_slice %arg11[%dma_wait3A_128, %dma_wait3A_129] : memref<16384x1024xf32, #tpu.memory_space<hbm>> -> memref<16384x1024xf32, #tpu.memory_space<hbm>>
        tpu.wait_indirect_dma semaphore(%arg20 : memref<!tpu.dma_semaphore, #tpu.memory_space<semaphore_mem>>) src(%arg15 : memref<16x1024xf32, #tpu.memory_space<vmem>>) dst(%dma_wait3A_130 : memref<16384x1024xf32, #tpu.memory_space<hbm>>)
        %while3A_131 = arith.constant 0 : i32
        scf.yield %while3A_131 : i32
      }
    } else {
    }
    %reduce_max3A_53 = arith.constant true
    %reduce_max3A_54 = vector.broadcast %reduce_max3A_53 : i1 to vector<16xi1>
    %reduce_max3A_55 = arith.constant -2147483648 : i32
    %reduce_max3A_56 = vector.broadcast %reduce_max3A_55 : i32 to vector<16xi32>
    %reduce_max3A_57 = arith.xori %scan3A_16#3, %reduce_max3A_56 : vector<16xi32>
    %reduce_max3A_58 = tpu.scan <max>, %reduce_max3A_57 masked %reduce_max3A_54 : vector<16xi32>, vector<16xi1> -> vector<16xi32>
    %reduce_max3A_59 = arith.xori %reduce_max3A_58, %reduce_max3A_56 : vector<16xi32>
    %reduce_max3A_60 = vector.extract %reduce_max3A_59[15] : i32 from vector<16xi32>
    %gt3A_61 = arith.constant 0 : i32
    %gt3A_62 = arith.cmpi sgt, %reduce_max3A_60, %gt3A_61 : i32
    %convert_element_type3A_63 = arith.extui %gt3A_62 : i1 to i32
    %cond3A_64 = arith.constant 0 : i32
    %cond3A_65 = arith.cmpi ne, %convert_element_type3A_63, %cond3A_64 : i32
    scf.if %cond3A_65 {
      %broadcast_in_dim3A_79 = arith.constant 1584 : i32
      %broadcast_in_dim3A_80 = vector.broadcast %broadcast_in_dim3A_79 : i32 to vector<16xi32>
      %add3A_81 = arith.addi %broadcast_in_dim3A_80, %scan3A_16#3 : vector<16xi32>
      %sub3A = arith.constant 1 : i32
      %sub3A_82 = vector.broadcast %sub3A : i32 to vector<16xi32>
      %sub3A_83 = arith.subi %add3A_81, %sub3A_82 : vector<16xi32>
      %broadcast_in_dim3A_84 = arith.constant 1584 : i32
      %broadcast_in_dim3A_85 = vector.broadcast %broadcast_in_dim3A_84 : i32 to vector<16xi32>
      %add3A_86 = arith.addi %broadcast_in_dim3A_85, %scan3A_16#3 : vector<16xi32>
      %add3A_87 = arith.addi %add3A_86, %iota3A : vector<16xi32>
      %gather3A = tpu.vector_load_idx %arg12[%sub3A_83] : memref<2640xi32, #tpu.memory_space<vmem>>[vector<16xi32>], vector<16xi32>,
      tpu.vector_store_idx %arg12[%add3A_87], %gather3A : memref<2640xi32, #tpu.memory_space<vmem>>[vector<16xi32>], vector<16xi32>,
      %gather3A_88 = tpu.vector_load_idx %arg13[%sub3A_83] : memref<2640xi32, #tpu.memory_space<vmem>>[vector<16xi32>], vector<16xi32>,
      tpu.vector_store_idx %arg13[%add3A_87], %gather3A_88 : memref<2640xi32, #tpu.memory_space<vmem>>[vector<16xi32>], vector<16xi32>,
      %gather3A_89 = tpu.vector_load_idx %arg14[%sub3A_83] : memref<2640xf32, #tpu.memory_space<vmem>>[vector<16xi32>], vector<16xf32>,
      tpu.vector_store_idx %arg14[%add3A_87], %gather3A_89 : memref<2640xf32, #tpu.memory_space<vmem>>[vector<16xi32>], vector<16xf32>,
      %add3A_90 = arith.constant 15 : i32
      %add3A_91 = arith.addi %reduce_max3A_60, %add3A_90 : i32
      %shift_right_arithmetic3A = arith.constant 4 : i32
      %shift_right_arithmetic3A_92 = arith.shrsi %add3A_91, %shift_right_arithmetic3A : i32
      %while3A = arith.constant 0 : i32
      %while3A_93 = arith.constant 0 : i32
      %while3A_94 = arith.subi %shift_right_arithmetic3A_92, %while3A : i32
      %while3A_95 = arith.addi %while3A, %while3A_94 : i32
      %while3A_96 = arith.constant 1 : i32
      %while3A_97 = arith.divsi %while3A_94, %while3A_96 : i32
      %while3A_98 = arith.muli %while3A_97, %while3A_96 : i32
      %while3A_99 = arith.addi %while3A, %while3A_98 : i32
      %while3A_100 = arith.constant 1 : i32
      %while3A_101 = scf.for %while3A_104 = %while3A to %while3A_99 step %while3A_100 iter_args(%while3A_105 = %while3A_93) -> (i32)  : i32 {
        %mul3A_106 = arith.constant 16 : i32
        %mul3A_107 = arith.muli %while3A_104, %mul3A_106 : i32
        %add3A_108 = arith.constant 1584 : i32
        %add3A_109 = arith.addi %add3A_108, %mul3A_107 : i32
        %broadcast_in_dim3A_110 = vector.broadcast %add3A_109 : i32 to vector<16xi32>
        %add3A_111 = arith.addi %broadcast_in_dim3A_110, %iota3A : vector<16xi32>
        %gather3A_112 = tpu.vector_load_idx %arg12[%add3A_111] : memref<2640xi32, #tpu.memory_space<vmem>>[vector<16xi32>], vector<16xi32>,
        %dma_start3A = arith.constant 0 : i32
        %dma_start3A_113 = arith.constant 0 : i32
        %dma_start3A_114 = tpu.memref_slice %arg6[%dma_start3A, %dma_start3A_113] : memref<6050x1024xf32, #tpu.memory_space<hbm>> -> memref<6050x1024xf32, #tpu.memory_space<hbm>>
        tpu.enqueue_indirect_dma source(%dma_start3A_114 : memref<6050x1024xf32, #tpu.memory_space<hbm>>) target(%arg15 : memref<16x1024xf32, #tpu.memory_space<vmem>>) offsets(%gather3A_112 : vector<16xi32>) semaphore(%arg20 : memref<!tpu.dma_semaphore, #tpu.memory_space<semaphore_mem>>)
        %dma_wait3A = arith.constant 0 : i32
        %dma_wait3A_115 = arith.constant 0 : i32
        %dma_wait3A_116 = tpu.memref_slice %arg6[%dma_wait3A, %dma_wait3A_115] : memref<6050x1024xf32, #tpu.memory_space<hbm>> -> memref<6050x1024xf32, #tpu.memory_space<hbm>>
        tpu.wait_indirect_dma semaphore(%arg20 : memref<!tpu.dma_semaphore, #tpu.memory_space<semaphore_mem>>) src(%dma_wait3A_116 : memref<6050x1024xf32, #tpu.memory_space<hbm>>) dst(%arg15 : memref<16x1024xf32, #tpu.memory_space<vmem>>)
        %scan3A_117 = arith.constant 0 : i32
        %scan3A_118 = arith.constant 0 : i32
        %scan3A_119 = arith.constant 16 : i32
        %scan3A_120 = arith.addi %scan3A_118, %scan3A_119 : i32
        %scan3A_121 = arith.constant 1 : i32
        %scan3A_122 = scf.for %scan3A_132 = %scan3A_118 to %scan3A_120 step %scan3A_121 iter_args(%scan3A_133 = %scan3A_117) -> (i32)  : i32 {
          %mul3A_134 = arith.constant 16 : i32
          %mul3A_135 = arith.muli %while3A_104, %mul3A_134 : i32
          %add3A_136 = arith.constant 1584 : i32
          %add3A_137 = arith.addi %add3A_136, %mul3A_135 : i32
          %add3A_138 = arith.addi %add3A_137, %scan3A_132 : i32
          %broadcast_in_dim3A_139 = vector.broadcast %add3A_138 : i32 to vector<16xi32>
          %gather3A_140 = tpu.vector_load_idx %arg14[%broadcast_in_dim3A_139] : memref<2640xf32, #tpu.memory_space<vmem>>[vector<16xi32>], vector<16xf32>,
          %broadcast_in_dim3A_141 = vector.broadcast %scan3A_132 : i32 to vector<16xi32>
          %broadcast_in_dim3A_142 = arith.constant 3 : i32
          %broadcast_in_dim3A_143 = vector.broadcast %broadcast_in_dim3A_142 : i32 to vector<16xi32>
          %scan3A_144 = arith.constant 0 : i32
          %scan3A_145 = arith.constant 0 : i32
          %scan3A_146 = arith.constant 64 : i32
          %scan3A_147 = arith.addi %scan3A_145, %scan3A_146 : i32
          %scan3A_148 = arith.constant 1 : i32
          %scan3A_149 = scf.for %scan3A_152 = %scan3A_145 to %scan3A_147 step %scan3A_148 iter_args(%scan3A_153 = %scan3A_144) -> (i32)  : i32 {
            %mul3A_154 = arith.constant 16 : i32
            %mul3A_155 = arith.muli %scan3A_152, %mul3A_154 : i32
            %broadcast_in_dim3A_156 = vector.broadcast %mul3A_155 : i32 to vector<16xi32>
            %add3A_157 = arith.addi %broadcast_in_dim3A_156, %iota3A : vector<16xi32>
            %gather3A_158 = tpu.vector_load_idx %arg15[%broadcast_in_dim3A_141, %add3A_157] : memref<16x1024xf32, #tpu.memory_space<vmem>>[vector<16xi32>, vector<16xi32>], vector<16xf32>,
            %gather3A_159 = tpu.vector_load_idx %arg16[%broadcast_in_dim3A_143, %add3A_157] : memref<5x1024xf32, #tpu.memory_space<vmem>>[vector<16xi32>, vector<16xi32>], vector<16xf32>,
            %add3A_160 = arith.addf %gather3A_158, %gather3A_159 : vector<16xf32>
            %mul3A_161 = arith.mulf %add3A_160, %gather3A_140 : vector<16xf32>
            tpu.vector_store_idx %arg15[%broadcast_in_dim3A_141, %add3A_157], %mul3A_161 : memref<16x1024xf32, #tpu.memory_space<vmem>>[vector<16xi32>, vector<16xi32>], vector<16xf32>,
            %scan3A_162 = arith.constant 0 : i32
            scf.yield %scan3A_162 : i32
          }
          %scan3A_150 = arith.constant 64 : i32
          %scan3A_151 = arith.constant 0 : i32
          scf.yield %scan3A_151 : i32
        }
        %scan3A_123 = arith.constant 16 : i32
        %gather3A_124 = tpu.vector_load_idx %arg13[%add3A_111] : memref<2640xi32, #tpu.memory_space<vmem>>[vector<16xi32>], vector<16xi32>,
        %dma_start3A_125 = arith.constant 0 : i32
        %dma_start3A_126 = arith.constant 0 : i32
        %dma_start3A_127 = tpu.memref_slice %arg11[%dma_start3A_125, %dma_start3A_126] : memref<16384x1024xf32, #tpu.memory_space<hbm>> -> memref<16384x1024xf32, #tpu.memory_space<hbm>>
        tpu.enqueue_indirect_dma source(%arg15 : memref<16x1024xf32, #tpu.memory_space<vmem>>) target(%dma_start3A_127 : memref<16384x1024xf32, #tpu.memory_space<hbm>>) offsets(%gather3A_124 : vector<16xi32>) semaphore(%arg20 : memref<!tpu.dma_semaphore, #tpu.memory_space<semaphore_mem>>)
        %dma_wait3A_128 = arith.constant 0 : i32
        %dma_wait3A_129 = arith.constant 0 : i32
        %dma_wait3A_130 = tpu.memref_slice %arg11[%dma_wait3A_128, %dma_wait3A_129] : memref<16384x1024xf32, #tpu.memory_space<hbm>> -> memref<16384x1024xf32, #tpu.memory_space<hbm>>
        tpu.wait_indirect_dma semaphore(%arg20 : memref<!tpu.dma_semaphore, #tpu.memory_space<semaphore_mem>>) src(%arg15 : memref<16x1024xf32, #tpu.memory_space<vmem>>) dst(%dma_wait3A_130 : memref<16384x1024xf32, #tpu.memory_space<hbm>>)
        %while3A_131 = arith.constant 0 : i32
        scf.yield %while3A_131 : i32
      }
      %while3A_102 = arith.constant 1 : i32
      %while3A_103 = scf.for %while3A_104 = %while3A_99 to %while3A_95 step %while3A_102 iter_args(%while3A_105 = %while3A_101) -> (i32)  : i32 {
        %mul3A_106 = arith.constant 16 : i32
        %mul3A_107 = arith.muli %while3A_104, %mul3A_106 : i32
        %add3A_108 = arith.constant 1584 : i32
        %add3A_109 = arith.addi %add3A_108, %mul3A_107 : i32
        %broadcast_in_dim3A_110 = vector.broadcast %add3A_109 : i32 to vector<16xi32>
        %add3A_111 = arith.addi %broadcast_in_dim3A_110, %iota3A : vector<16xi32>
        %gather3A_112 = tpu.vector_load_idx %arg12[%add3A_111] : memref<2640xi32, #tpu.memory_space<vmem>>[vector<16xi32>], vector<16xi32>,
        %dma_start3A = arith.constant 0 : i32
        %dma_start3A_113 = arith.constant 0 : i32
        %dma_start3A_114 = tpu.memref_slice %arg6[%dma_start3A, %dma_start3A_113] : memref<6050x1024xf32, #tpu.memory_space<hbm>> -> memref<6050x1024xf32, #tpu.memory_space<hbm>>
        tpu.enqueue_indirect_dma source(%dma_start3A_114 : memref<6050x1024xf32, #tpu.memory_space<hbm>>) target(%arg15 : memref<16x1024xf32, #tpu.memory_space<vmem>>) offsets(%gather3A_112 : vector<16xi32>) semaphore(%arg20 : memref<!tpu.dma_semaphore, #tpu.memory_space<semaphore_mem>>)
        %dma_wait3A = arith.constant 0 : i32
        %dma_wait3A_115 = arith.constant 0 : i32
        %dma_wait3A_116 = tpu.memref_slice %arg6[%dma_wait3A, %dma_wait3A_115] : memref<6050x1024xf32, #tpu.memory_space<hbm>> -> memref<6050x1024xf32, #tpu.memory_space<hbm>>
        tpu.wait_indirect_dma semaphore(%arg20 : memref<!tpu.dma_semaphore, #tpu.memory_space<semaphore_mem>>) src(%dma_wait3A_116 : memref<6050x1024xf32, #tpu.memory_space<hbm>>) dst(%arg15 : memref<16x1024xf32, #tpu.memory_space<vmem>>)
        %scan3A_117 = arith.constant 0 : i32
        %scan3A_118 = arith.constant 0 : i32
        %scan3A_119 = arith.constant 16 : i32
        %scan3A_120 = arith.addi %scan3A_118, %scan3A_119 : i32
        %scan3A_121 = arith.constant 1 : i32
        %scan3A_122 = scf.for %scan3A_132 = %scan3A_118 to %scan3A_120 step %scan3A_121 iter_args(%scan3A_133 = %scan3A_117) -> (i32)  : i32 {
          %mul3A_134 = arith.constant 16 : i32
          %mul3A_135 = arith.muli %while3A_104, %mul3A_134 : i32
          %add3A_136 = arith.constant 1584 : i32
          %add3A_137 = arith.addi %add3A_136, %mul3A_135 : i32
          %add3A_138 = arith.addi %add3A_137, %scan3A_132 : i32
          %broadcast_in_dim3A_139 = vector.broadcast %add3A_138 : i32 to vector<16xi32>
          %gather3A_140 = tpu.vector_load_idx %arg14[%broadcast_in_dim3A_139] : memref<2640xf32, #tpu.memory_space<vmem>>[vector<16xi32>], vector<16xf32>,
          %broadcast_in_dim3A_141 = vector.broadcast %scan3A_132 : i32 to vector<16xi32>
          %broadcast_in_dim3A_142 = arith.constant 3 : i32
          %broadcast_in_dim3A_143 = vector.broadcast %broadcast_in_dim3A_142 : i32 to vector<16xi32>
          %scan3A_144 = arith.constant 0 : i32
          %scan3A_145 = arith.constant 0 : i32
          %scan3A_146 = arith.constant 64 : i32
          %scan3A_147 = arith.addi %scan3A_145, %scan3A_146 : i32
          %scan3A_148 = arith.constant 1 : i32
          %scan3A_149 = scf.for %scan3A_152 = %scan3A_145 to %scan3A_147 step %scan3A_148 iter_args(%scan3A_153 = %scan3A_144) -> (i32)  : i32 {
            %mul3A_154 = arith.constant 16 : i32
            %mul3A_155 = arith.muli %scan3A_152, %mul3A_154 : i32
            %broadcast_in_dim3A_156 = vector.broadcast %mul3A_155 : i32 to vector<16xi32>
            %add3A_157 = arith.addi %broadcast_in_dim3A_156, %iota3A : vector<16xi32>
            %gather3A_158 = tpu.vector_load_idx %arg15[%broadcast_in_dim3A_141, %add3A_157] : memref<16x1024xf32, #tpu.memory_space<vmem>>[vector<16xi32>, vector<16xi32>], vector<16xf32>,
            %gather3A_159 = tpu.vector_load_idx %arg16[%broadcast_in_dim3A_143, %add3A_157] : memref<5x1024xf32, #tpu.memory_space<vmem>>[vector<16xi32>, vector<16xi32>], vector<16xf32>,
            %add3A_160 = arith.addf %gather3A_158, %gather3A_159 : vector<16xf32>
            %mul3A_161 = arith.mulf %add3A_160, %gather3A_140 : vector<16xf32>
            tpu.vector_store_idx %arg15[%broadcast_in_dim3A_141, %add3A_157], %mul3A_161 : memref<16x1024xf32, #tpu.memory_space<vmem>>[vector<16xi32>, vector<16xi32>], vector<16xf32>,
            %scan3A_162 = arith.constant 0 : i32
            scf.yield %scan3A_162 : i32
          }
          %scan3A_150 = arith.constant 64 : i32
          %scan3A_151 = arith.constant 0 : i32
          scf.yield %scan3A_151 : i32
        }
        %scan3A_123 = arith.constant 16 : i32
        %gather3A_124 = tpu.vector_load_idx %arg13[%add3A_111] : memref<2640xi32, #tpu.memory_space<vmem>>[vector<16xi32>], vector<16xi32>,
        %dma_start3A_125 = arith.constant 0 : i32
        %dma_start3A_126 = arith.constant 0 : i32
        %dma_start3A_127 = tpu.memref_slice %arg11[%dma_start3A_125, %dma_start3A_126] : memref<16384x1024xf32, #tpu.memory_space<hbm>> -> memref<16384x1024xf32, #tpu.memory_space<hbm>>
        tpu.enqueue_indirect_dma source(%arg15 : memref<16x1024xf32, #tpu.memory_space<vmem>>) target(%dma_start3A_127 : memref<16384x1024xf32, #tpu.memory_space<hbm>>) offsets(%gather3A_124 : vector<16xi32>) semaphore(%arg20 : memref<!tpu.dma_semaphore, #tpu.memory_space<semaphore_mem>>)
        %dma_wait3A_128 = arith.constant 0 : i32
        %dma_wait3A_129 = arith.constant 0 : i32
        %dma_wait3A_130 = tpu.memref_slice %arg11[%dma_wait3A_128, %dma_wait3A_129] : memref<16384x1024xf32, #tpu.memory_space<hbm>> -> memref<16384x1024xf32, #tpu.memory_space<hbm>>
        tpu.wait_indirect_dma semaphore(%arg20 : memref<!tpu.dma_semaphore, #tpu.memory_space<semaphore_mem>>) src(%arg15 : memref<16x1024xf32, #tpu.memory_space<vmem>>) dst(%dma_wait3A_130 : memref<16384x1024xf32, #tpu.memory_space<hbm>>)
        %while3A_131 = arith.constant 0 : i32
        scf.yield %while3A_131 : i32
      }
    } else {
    }
    %reduce_max3A_66 = arith.constant true
    %reduce_max3A_67 = vector.broadcast %reduce_max3A_66 : i1 to vector<16xi1>
    %reduce_max3A_68 = arith.constant -2147483648 : i32
    %reduce_max3A_69 = vector.broadcast %reduce_max3A_68 : i32 to vector<16xi32>
    %reduce_max3A_70 = arith.xori %scan3A_16#4, %reduce_max3A_69 : vector<16xi32>
    %reduce_max3A_71 = tpu.scan <max>, %reduce_max3A_70 masked %reduce_max3A_67 : vector<16xi32>, vector<16xi1> -> vector<16xi32>
    %reduce_max3A_72 = arith.xori %reduce_max3A_71, %reduce_max3A_69 : vector<16xi32>
    %reduce_max3A_73 = vector.extract %reduce_max3A_72[15] : i32 from vector<16xi32>
    %gt3A_74 = arith.constant 0 : i32
    %gt3A_75 = arith.cmpi sgt, %reduce_max3A_73, %gt3A_74 : i32
    %convert_element_type3A_76 = arith.extui %gt3A_75 : i1 to i32
    %cond3A_77 = arith.constant 0 : i32
    %cond3A_78 = arith.cmpi ne, %convert_element_type3A_76, %cond3A_77 : i32
    scf.if %cond3A_78 {
      %broadcast_in_dim3A_79 = arith.constant 2112 : i32
      %broadcast_in_dim3A_80 = vector.broadcast %broadcast_in_dim3A_79 : i32 to vector<16xi32>
      %add3A_81 = arith.addi %broadcast_in_dim3A_80, %scan3A_16#4 : vector<16xi32>
      %sub3A = arith.constant 1 : i32
      %sub3A_82 = vector.broadcast %sub3A : i32 to vector<16xi32>
      %sub3A_83 = arith.subi %add3A_81, %sub3A_82 : vector<16xi32>
      %broadcast_in_dim3A_84 = arith.constant 2112 : i32
      %broadcast_in_dim3A_85 = vector.broadcast %broadcast_in_dim3A_84 : i32 to vector<16xi32>
      %add3A_86 = arith.addi %broadcast_in_dim3A_85, %scan3A_16#4 : vector<16xi32>
      %add3A_87 = arith.addi %add3A_86, %iota3A : vector<16xi32>
      %gather3A = tpu.vector_load_idx %arg12[%sub3A_83] : memref<2640xi32, #tpu.memory_space<vmem>>[vector<16xi32>], vector<16xi32>,
      tpu.vector_store_idx %arg12[%add3A_87], %gather3A : memref<2640xi32, #tpu.memory_space<vmem>>[vector<16xi32>], vector<16xi32>,
      %gather3A_88 = tpu.vector_load_idx %arg13[%sub3A_83] : memref<2640xi32, #tpu.memory_space<vmem>>[vector<16xi32>], vector<16xi32>,
      tpu.vector_store_idx %arg13[%add3A_87], %gather3A_88 : memref<2640xi32, #tpu.memory_space<vmem>>[vector<16xi32>], vector<16xi32>,
      %gather3A_89 = tpu.vector_load_idx %arg14[%sub3A_83] : memref<2640xf32, #tpu.memory_space<vmem>>[vector<16xi32>], vector<16xf32>,
      tpu.vector_store_idx %arg14[%add3A_87], %gather3A_89 : memref<2640xf32, #tpu.memory_space<vmem>>[vector<16xi32>], vector<16xf32>,
      %add3A_90 = arith.constant 15 : i32
      %add3A_91 = arith.addi %reduce_max3A_73, %add3A_90 : i32
      %shift_right_arithmetic3A = arith.constant 4 : i32
      %shift_right_arithmetic3A_92 = arith.shrsi %add3A_91, %shift_right_arithmetic3A : i32
      %while3A = arith.constant 0 : i32
      %while3A_93 = arith.constant 0 : i32
      %while3A_94 = arith.subi %shift_right_arithmetic3A_92, %while3A : i32
      %while3A_95 = arith.addi %while3A, %while3A_94 : i32
      %while3A_96 = arith.constant 1 : i32
      %while3A_97 = arith.divsi %while3A_94, %while3A_96 : i32
      %while3A_98 = arith.muli %while3A_97, %while3A_96 : i32
      %while3A_99 = arith.addi %while3A, %while3A_98 : i32
      %while3A_100 = arith.constant 1 : i32
      %while3A_101 = scf.for %while3A_104 = %while3A to %while3A_99 step %while3A_100 iter_args(%while3A_105 = %while3A_93) -> (i32)  : i32 {
        %mul3A_106 = arith.constant 16 : i32
        %mul3A_107 = arith.muli %while3A_104, %mul3A_106 : i32
        %add3A_108 = arith.constant 2112 : i32
        %add3A_109 = arith.addi %add3A_108, %mul3A_107 : i32
        %broadcast_in_dim3A_110 = vector.broadcast %add3A_109 : i32 to vector<16xi32>
        %add3A_111 = arith.addi %broadcast_in_dim3A_110, %iota3A : vector<16xi32>
        %gather3A_112 = tpu.vector_load_idx %arg12[%add3A_111] : memref<2640xi32, #tpu.memory_space<vmem>>[vector<16xi32>], vector<16xi32>,
        %dma_start3A = arith.constant 0 : i32
        %dma_start3A_113 = arith.constant 0 : i32
        %dma_start3A_114 = tpu.memref_slice %arg7[%dma_start3A, %dma_start3A_113] : memref<66550x1024xf32, #tpu.memory_space<hbm>> -> memref<66550x1024xf32, #tpu.memory_space<hbm>>
        tpu.enqueue_indirect_dma source(%dma_start3A_114 : memref<66550x1024xf32, #tpu.memory_space<hbm>>) target(%arg15 : memref<16x1024xf32, #tpu.memory_space<vmem>>) offsets(%gather3A_112 : vector<16xi32>) semaphore(%arg20 : memref<!tpu.dma_semaphore, #tpu.memory_space<semaphore_mem>>)
        %dma_wait3A = arith.constant 0 : i32
        %dma_wait3A_115 = arith.constant 0 : i32
        %dma_wait3A_116 = tpu.memref_slice %arg7[%dma_wait3A, %dma_wait3A_115] : memref<66550x1024xf32, #tpu.memory_space<hbm>> -> memref<66550x1024xf32, #tpu.memory_space<hbm>>
        tpu.wait_indirect_dma semaphore(%arg20 : memref<!tpu.dma_semaphore, #tpu.memory_space<semaphore_mem>>) src(%dma_wait3A_116 : memref<66550x1024xf32, #tpu.memory_space<hbm>>) dst(%arg15 : memref<16x1024xf32, #tpu.memory_space<vmem>>)
        %scan3A_117 = arith.constant 0 : i32
        %scan3A_118 = arith.constant 0 : i32
        %scan3A_119 = arith.constant 16 : i32
        %scan3A_120 = arith.addi %scan3A_118, %scan3A_119 : i32
        %scan3A_121 = arith.constant 1 : i32
        %scan3A_122 = scf.for %scan3A_132 = %scan3A_118 to %scan3A_120 step %scan3A_121 iter_args(%scan3A_133 = %scan3A_117) -> (i32)  : i32 {
          %mul3A_134 = arith.constant 16 : i32
          %mul3A_135 = arith.muli %while3A_104, %mul3A_134 : i32
          %add3A_136 = arith.constant 2112 : i32
          %add3A_137 = arith.addi %add3A_136, %mul3A_135 : i32
          %add3A_138 = arith.addi %add3A_137, %scan3A_132 : i32
          %broadcast_in_dim3A_139 = vector.broadcast %add3A_138 : i32 to vector<16xi32>
          %gather3A_140 = tpu.vector_load_idx %arg14[%broadcast_in_dim3A_139] : memref<2640xf32, #tpu.memory_space<vmem>>[vector<16xi32>], vector<16xf32>,
          %broadcast_in_dim3A_141 = vector.broadcast %scan3A_132 : i32 to vector<16xi32>
          %broadcast_in_dim3A_142 = arith.constant 4 : i32
          %broadcast_in_dim3A_143 = vector.broadcast %broadcast_in_dim3A_142 : i32 to vector<16xi32>
          %scan3A_144 = arith.constant 0 : i32
          %scan3A_145 = arith.constant 0 : i32
          %scan3A_146 = arith.constant 64 : i32
          %scan3A_147 = arith.addi %scan3A_145, %scan3A_146 : i32
          %scan3A_148 = arith.constant 1 : i32
          %scan3A_149 = scf.for %scan3A_152 = %scan3A_145 to %scan3A_147 step %scan3A_148 iter_args(%scan3A_153 = %scan3A_144) -> (i32)  : i32 {
            %mul3A_154 = arith.constant 16 : i32
            %mul3A_155 = arith.muli %scan3A_152, %mul3A_154 : i32
            %broadcast_in_dim3A_156 = vector.broadcast %mul3A_155 : i32 to vector<16xi32>
            %add3A_157 = arith.addi %broadcast_in_dim3A_156, %iota3A : vector<16xi32>
            %gather3A_158 = tpu.vector_load_idx %arg15[%broadcast_in_dim3A_141, %add3A_157] : memref<16x1024xf32, #tpu.memory_space<vmem>>[vector<16xi32>, vector<16xi32>], vector<16xf32>,
            %gather3A_159 = tpu.vector_load_idx %arg16[%broadcast_in_dim3A_143, %add3A_157] : memref<5x1024xf32, #tpu.memory_space<vmem>>[vector<16xi32>, vector<16xi32>], vector<16xf32>,
            %add3A_160 = arith.addf %gather3A_158, %gather3A_159 : vector<16xf32>
            %mul3A_161 = arith.mulf %add3A_160, %gather3A_140 : vector<16xf32>
            tpu.vector_store_idx %arg15[%broadcast_in_dim3A_141, %add3A_157], %mul3A_161 : memref<16x1024xf32, #tpu.memory_space<vmem>>[vector<16xi32>, vector<16xi32>], vector<16xf32>,
            %scan3A_162 = arith.constant 0 : i32
            scf.yield %scan3A_162 : i32
          }
          %scan3A_150 = arith.constant 64 : i32
          %scan3A_151 = arith.constant 0 : i32
          scf.yield %scan3A_151 : i32
        }
        %scan3A_123 = arith.constant 16 : i32
        %gather3A_124 = tpu.vector_load_idx %arg13[%add3A_111] : memref<2640xi32, #tpu.memory_space<vmem>>[vector<16xi32>], vector<16xi32>,
        %dma_start3A_125 = arith.constant 0 : i32
        %dma_start3A_126 = arith.constant 0 : i32
        %dma_start3A_127 = tpu.memref_slice %arg11[%dma_start3A_125, %dma_start3A_126] : memref<16384x1024xf32, #tpu.memory_space<hbm>> -> memref<16384x1024xf32, #tpu.memory_space<hbm>>
        tpu.enqueue_indirect_dma source(%arg15 : memref<16x1024xf32, #tpu.memory_space<vmem>>) target(%dma_start3A_127 : memref<16384x1024xf32, #tpu.memory_space<hbm>>) offsets(%gather3A_124 : vector<16xi32>) semaphore(%arg20 : memref<!tpu.dma_semaphore, #tpu.memory_space<semaphore_mem>>)
        %dma_wait3A_128 = arith.constant 0 : i32
        %dma_wait3A_129 = arith.constant 0 : i32
        %dma_wait3A_130 = tpu.memref_slice %arg11[%dma_wait3A_128, %dma_wait3A_129] : memref<16384x1024xf32, #tpu.memory_space<hbm>> -> memref<16384x1024xf32, #tpu.memory_space<hbm>>
        tpu.wait_indirect_dma semaphore(%arg20 : memref<!tpu.dma_semaphore, #tpu.memory_space<semaphore_mem>>) src(%arg15 : memref<16x1024xf32, #tpu.memory_space<vmem>>) dst(%dma_wait3A_130 : memref<16384x1024xf32, #tpu.memory_space<hbm>>)
        %while3A_131 = arith.constant 0 : i32
        scf.yield %while3A_131 : i32
      }
      %while3A_102 = arith.constant 1 : i32
      %while3A_103 = scf.for %while3A_104 = %while3A_99 to %while3A_95 step %while3A_102 iter_args(%while3A_105 = %while3A_101) -> (i32)  : i32 {
        %mul3A_106 = arith.constant 16 : i32
        %mul3A_107 = arith.muli %while3A_104, %mul3A_106 : i32
        %add3A_108 = arith.constant 2112 : i32
        %add3A_109 = arith.addi %add3A_108, %mul3A_107 : i32
        %broadcast_in_dim3A_110 = vector.broadcast %add3A_109 : i32 to vector<16xi32>
        %add3A_111 = arith.addi %broadcast_in_dim3A_110, %iota3A : vector<16xi32>
        %gather3A_112 = tpu.vector_load_idx %arg12[%add3A_111] : memref<2640xi32, #tpu.memory_space<vmem>>[vector<16xi32>], vector<16xi32>,
        %dma_start3A = arith.constant 0 : i32
        %dma_start3A_113 = arith.constant 0 : i32
        %dma_start3A_114 = tpu.memref_slice %arg7[%dma_start3A, %dma_start3A_113] : memref<66550x1024xf32, #tpu.memory_space<hbm>> -> memref<66550x1024xf32, #tpu.memory_space<hbm>>
        tpu.enqueue_indirect_dma source(%dma_start3A_114 : memref<66550x1024xf32, #tpu.memory_space<hbm>>) target(%arg15 : memref<16x1024xf32, #tpu.memory_space<vmem>>) offsets(%gather3A_112 : vector<16xi32>) semaphore(%arg20 : memref<!tpu.dma_semaphore, #tpu.memory_space<semaphore_mem>>)
        %dma_wait3A = arith.constant 0 : i32
        %dma_wait3A_115 = arith.constant 0 : i32
        %dma_wait3A_116 = tpu.memref_slice %arg7[%dma_wait3A, %dma_wait3A_115] : memref<66550x1024xf32, #tpu.memory_space<hbm>> -> memref<66550x1024xf32, #tpu.memory_space<hbm>>
        tpu.wait_indirect_dma semaphore(%arg20 : memref<!tpu.dma_semaphore, #tpu.memory_space<semaphore_mem>>) src(%dma_wait3A_116 : memref<66550x1024xf32, #tpu.memory_space<hbm>>) dst(%arg15 : memref<16x1024xf32, #tpu.memory_space<vmem>>)
        %scan3A_117 = arith.constant 0 : i32
        %scan3A_118 = arith.constant 0 : i32
        %scan3A_119 = arith.constant 16 : i32
        %scan3A_120 = arith.addi %scan3A_118, %scan3A_119 : i32
        %scan3A_121 = arith.constant 1 : i32
        %scan3A_122 = scf.for %scan3A_132 = %scan3A_118 to %scan3A_120 step %scan3A_121 iter_args(%scan3A_133 = %scan3A_117) -> (i32)  : i32 {
          %mul3A_134 = arith.constant 16 : i32
          %mul3A_135 = arith.muli %while3A_104, %mul3A_134 : i32
          %add3A_136 = arith.constant 2112 : i32
          %add3A_137 = arith.addi %add3A_136, %mul3A_135 : i32
          %add3A_138 = arith.addi %add3A_137, %scan3A_132 : i32
          %broadcast_in_dim3A_139 = vector.broadcast %add3A_138 : i32 to vector<16xi32>
          %gather3A_140 = tpu.vector_load_idx %arg14[%broadcast_in_dim3A_139] : memref<2640xf32, #tpu.memory_space<vmem>>[vector<16xi32>], vector<16xf32>,
          %broadcast_in_dim3A_141 = vector.broadcast %scan3A_132 : i32 to vector<16xi32>
          %broadcast_in_dim3A_142 = arith.constant 4 : i32
          %broadcast_in_dim3A_143 = vector.broadcast %broadcast_in_dim3A_142 : i32 to vector<16xi32>
          %scan3A_144 = arith.constant 0 : i32
          %scan3A_145 = arith.constant 0 : i32
          %scan3A_146 = arith.constant 64 : i32
          %scan3A_147 = arith.addi %scan3A_145, %scan3A_146 : i32
          %scan3A_148 = arith.constant 1 : i32
          %scan3A_149 = scf.for %scan3A_152 = %scan3A_145 to %scan3A_147 step %scan3A_148 iter_args(%scan3A_153 = %scan3A_144) -> (i32)  : i32 {
            %mul3A_154 = arith.constant 16 : i32
            %mul3A_155 = arith.muli %scan3A_152, %mul3A_154 : i32
            %broadcast_in_dim3A_156 = vector.broadcast %mul3A_155 : i32 to vector<16xi32>
            %add3A_157 = arith.addi %broadcast_in_dim3A_156, %iota3A : vector<16xi32>
            %gather3A_158 = tpu.vector_load_idx %arg15[%broadcast_in_dim3A_141, %add3A_157] : memref<16x1024xf32, #tpu.memory_space<vmem>>[vector<16xi32>, vector<16xi32>], vector<16xf32>,
            %gather3A_159 = tpu.vector_load_idx %arg16[%broadcast_in_dim3A_143, %add3A_157] : memref<5x1024xf32, #tpu.memory_space<vmem>>[vector<16xi32>, vector<16xi32>], vector<16xf32>,
            %add3A_160 = arith.addf %gather3A_158, %gather3A_159 : vector<16xf32>
            %mul3A_161 = arith.mulf %add3A_160, %gather3A_140 : vector<16xf32>
            tpu.vector_store_idx %arg15[%broadcast_in_dim3A_141, %add3A_157], %mul3A_161 : memref<16x1024xf32, #tpu.memory_space<vmem>>[vector<16xi32>, vector<16xi32>], vector<16xf32>,
            %scan3A_162 = arith.constant 0 : i32
            scf.yield %scan3A_162 : i32
          }
          %scan3A_150 = arith.constant 64 : i32
          %scan3A_151 = arith.constant 0 : i32
          scf.yield %scan3A_151 : i32
        }
        %scan3A_123 = arith.constant 16 : i32
        %gather3A_124 = tpu.vector_load_idx %arg13[%add3A_111] : memref<2640xi32, #tpu.memory_space<vmem>>[vector<16xi32>], vector<16xi32>,
        %dma_start3A_125 = arith.constant 0 : i32
        %dma_start3A_126 = arith.constant 0 : i32
        %dma_start3A_127 = tpu.memref_slice %arg11[%dma_start3A_125, %dma_start3A_126] : memref<16384x1024xf32, #tpu.memory_space<hbm>> -> memref<16384x1024xf32, #tpu.memory_space<hbm>>
        tpu.enqueue_indirect_dma source(%arg15 : memref<16x1024xf32, #tpu.memory_space<vmem>>) target(%dma_start3A_127 : memref<16384x1024xf32, #tpu.memory_space<hbm>>) offsets(%gather3A_124 : vector<16xi32>) semaphore(%arg20 : memref<!tpu.dma_semaphore, #tpu.memory_space<semaphore_mem>>)
        %dma_wait3A_128 = arith.constant 0 : i32
        %dma_wait3A_129 = arith.constant 0 : i32
        %dma_wait3A_130 = tpu.memref_slice %arg11[%dma_wait3A_128, %dma_wait3A_129] : memref<16384x1024xf32, #tpu.memory_space<hbm>> -> memref<16384x1024xf32, #tpu.memory_space<hbm>>
        tpu.wait_indirect_dma semaphore(%arg20 : memref<!tpu.dma_semaphore, #tpu.memory_space<semaphore_mem>>) src(%arg15 : memref<16x1024xf32, #tpu.memory_space<vmem>>) dst(%dma_wait3A_130 : memref<16384x1024xf32, #tpu.memory_space<hbm>>)
        %while3A_131 = arith.constant 0 : i32
        scf.yield %while3A_131 : i32
      }
    } else {
    }
    return
  }
}

</mosaic_0001>

<sc_bundles>
// kernel: kernel.3.cloned.1.call-start
scs
__scs_entry_jumppad:
0x0: {  	(pc) =	sbr.rel $0x88, $3  }
0x1: {  	(tag) =	ssettag $0x0;
	lr =	simm.s32 $0x1  }
0x2: {  	[smem:$0x3F98] =	sst lr;
	_ =	strace $0xD0000000  }
0x3: {  	_ = 	snop  }
0x4: {  	_ = 	snop  }
0x5: {  	_ = 	snop  }
0x6: {  	_ = 	snop  }
0x7: {  	_ = 	snop  }
__scs_overlays_trampoline_lowered:
0x8: {  	[smem:$0x3FA7] =	sst s0  }
0x9: {  	[smem:$0x3FA8] =	sst s1  }
0xa: {  	[smem:$0x3FA9] =	sst s2  }
0xb: {  	[smem:$0x3FAA] =	sst s3  }
0xc: {  	[smem:$0x3FAB] =	sst s4  }
0xd: {  	[smem:$0x3FAC] =	sst s5  }
0xe: {  	[smem:$0x3FAD] =	sst s6  }
0xf: {  	[smem:$0x3FAE] =	sst s7  }
0x10: {  	[smem:$0x3FAF] =	sst s8  }
0x11: {  	[smem:$0x3FB0] =	sst s9;
	s0 =	simm.s32 @!p0 $0x0  }
0x12: {  	s1 =	sld [smem:$0x3F96];
	s0 =	simm.s32 @p0 $0x1  }
0x13: {  	[smem:$0x3FB1] =	sst s0;
	s0 =	simm.s32 @!p1 $0x0  }
0x14: {  	s2 =	sld [smem:$0x3F95];
	s0 =	simm.s32 @p1 $0x1  }
0x15: {  	[smem:$0x3FB2] =	sst s0;
	s0 =	simm.s32 @!p2 $0x0  }
0x16: {  	s3 =	sld [smem:$0x3FDB];
	s0 =	simm.s32 @p2 $0x1  }
0x17: {  	s4 =	simm.s32 $0x1BF5;
	[smem:$0x3FB4] =	sst s0  }
0x18: {  	s0 =	sld [smem:$0x3F97];
	_ =	swait.ge [sflag:s4], $0x0  }
0x19: {  	s7 =	sld [smem:$0x3F98]  }
0x1a: {  	s8 =	sadd.s32 $0xFFFFE003, lr  }
0x1b: {  	s9 =	sadd.s32 $0xFFFFFEF7, lr;
	s5 =	simm.s32 $0xFFFFFFFF;
	p2 =	slt.u32 s8, $0xFFFFF086  }
0x1c: {  	p1 =	slt.u32 s9, $0xF7A;
	s5 =	simm.s32 @!p2 $0x0  }
0x1d: {  	s5 =	simm.s32 @p1 $0x1;
	p0 =	seq.s32 s7, s2  }
0x1e: {  	s7 =	smul.u32 @!p0 $0xF7A, s2;
	p2 =	seq.s32 @!p0 s5, $0x0  }
0x1f: {  	s9 =	smul.u32 $0xF7A, s1;
	s8 =	simm.s32 @!p0 $0x1BF5;
	p2 =	por !p2, p0  }
0x20: {  	[sflag:s8] =	ssyncset.s32 @!p0 $0xFFFFF086;
	s6 =	sadd.s32 @!p0 s3, s7;
	s7 =	simm.s32 @!p0 $0x108  }
0x21: {  	s3 =	sadd.s32 s3, s9;
	s6 =	sadd.s32 @!p0 $0x88, s6;
	s7 =	simm.s32 @p2 $0x1082  }
0x22: {  	[simem:s7], [sflag:s8] =	dma.local @!p0 [hbm:s6], $0xF7A  }
0x23: {  	s9 =	sor.u32 $0xD0000000, s2;
	s6 =	simm.s32 $0x108;
	_ =	swait.ge @!p0 [sflag:s8], $0x0  }
0x24: {  	s3 =	sadd.s32 $0x88, s3;
	s6 =	simm.s32 @!p1 $0x1082;
	[sflag:s4] =	ssyncset.s32 $0xFFFFF086  }
0x25: {  	[simem:s6], [sflag:s4] =	dma.local [hbm:s3], $0xF7A  }
0x26: {  	[smem:$0x3F98] =	sst s1;
	(tag) =	ssettag s2;
	_ =	strace s9  }
0x27: {  	s1 =	sld [smem:$0x3FA8]  }
0x28: {  	s2 =	sld [smem:$0x3FA9]  }
0x29: {  	s4 =	sld [smem:$0x3FAB]  }
0x2a: {  	p0 =	seq.s32 s5, $0x0;
	s5 =	sld [smem:$0x3FAC]  }
0x2b: {  	s6 =	sld [smem:$0x3FAD]  }
0x2c: {  	s7 =	sld [smem:$0x3FAE]  }
0x2d: {  	s3 =	simm.s32 $0x108;
	s8 =	sld [smem:$0x3FAF]  }
0x2e: {  	s3 =	simm.s32 @!p0 $0x1082;
	s9 =	sld [smem:$0x3FB0]  }
0x2f: {  	lr =	sadd.s32 s0, s3;
	s0 =	sld [smem:$0x3FA7]  }
0x30: {  	s3 =	sld [smem:$0x3FAA]  }
0x31: {  	[smem:$0x3FB3] =	sst s10  }
0x32: {  	s10 =	sld [smem:$0x3FB1];
	_ =	sdelay $0x3  }
0x33: {  	p0 =	seq.s32 s10, $0x1;
	s10 =	sld [smem:$0x3FB3];
	_ =	sdelay $0x3  }
0x34: {  	[smem:$0x3FB3] =	sst s10  }
0x35: {  	s10 =	sld [smem:$0x3FB2];
	_ =	sdelay $0x3  }
0x36: {  	p1 =	seq.s32 s10, $0x1;
	s10 =	sld [smem:$0x3FB3];
	_ =	sdelay $0x3  }
0x37: {  	[smem:$0x3FB3] =	sst s10  }
0x38: {  	s10 =	sld [smem:$0x3FB4]  }
0x39: {  	_ = 	snop;
	(pc) =	sbr.ind lr, $3  }
0x3a: {  	_ = 	snop  }
0x3b: {  	_ = 	snop  }
0x3c: {  	p2 =	seq.s32 s10, $0x1;
	s10 =	sld [smem:$0x3FB3]  }
0x3d: {  	_ =	shalt  }
0x3e: {  	_ =	shalt  }
0x3f: {  	_ =	shalt  }
0x40: {  	_ =	shalt  }
0x41: {  	_ =	shalt  }
0x42: {  	_ =	shalt  }
0x43: {  	_ =	shalt  }
0x44: {  	_ =	shalt  }
0x45: {  	_ =	shalt  }
0x46: {  	_ =	shalt  }
0x47: {  	_ =	shalt  }
0x48: {  	_ =	shalt  }
0x49: {  	_ =	shalt  }
0x4a: {  	_ =	shalt  }
0x4b: {  	_ =	shalt  }
0x4c: {  	_ =	shalt  }
0x4d: {  	_ =	shalt  }
0x4e: {  	_ =	shalt  }
0x4f: {  	_ =	shalt  }
0x50: {  	_ =	shalt  }
0x51: {  	_ =	shalt  }
0x52: {  	_ =	shalt  }
0x53: {  	_ =	shalt  }
0x54: {  	_ =	shalt  }
0x55: {  	_ =	shalt  }
0x56: {  	_ =	shalt  }
0x57: {  	_ =	shalt  }
0x58: {  	_ =	shalt  }
0x59: {  	_ =	shalt  }
0x5a: {  	_ =	shalt  }
0x5b: {  	_ =	shalt  }
0x5c: {  	_ =	shalt  }
0x5d: {  	_ =	shalt  }
0x5e: {  	_ =	shalt  }
0x5f: {  	_ =	shalt  }
0x60: {  	_ =	shalt  }
0x61: {  	_ =	shalt  }
0x62: {  	_ =	shalt  }
0x63: {  	_ =	shalt  }
0x64: {  	_ =	shalt  }
0x65: {  	_ =	shalt  }
0x66: {  	_ =	shalt  }
0x67: {  	_ =	shalt  }
0x68: {  	_ =	shalt  }
0x69: {  	_ =	shalt  }
0x6a: {  	_ =	shalt  }
0x6b: {  	_ =	shalt  }
0x6c: {  	_ =	shalt  }
0x6d: {  	_ =	shalt  }
0x6e: {  	_ =	shalt  }
0x6f: {  	_ =	shalt  }
0x70: {  	_ =	shalt  }
0x71: {  	_ =	shalt  }
0x72: {  	_ =	shalt  }
0x73: {  	_ =	shalt  }
0x74: {  	_ =	shalt  }
0x75: {  	_ =	shalt  }
0x76: {  	_ =	shalt  }
0x77: {  	_ =	shalt  }
0x78: {  	_ =	shalt  }
0x79: {  	_ =	shalt  }
0x7a: {  	_ =	shalt  }
0x7b: {  	_ =	shalt  }
0x7c: {  	_ =	shalt  }
0x7d: {  	_ =	shalt  }
0x7e: {  	_ =	shalt  }
0x7f: {  	_ =	shalt  }
0x80: {  	_ =	shalt  }
0x81: {  	_ =	shalt  }
0x82: {  	_ =	shalt  }
0x83: {  	_ =	shalt  }
0x84: {  	_ =	shalt  }
0x85: {  	_ =	shalt  }
0x86: {  	_ =	shalt  }
0x87: {  	_ =	shalt  }
.Lfunc_end0:
.L_simem_size_0:
called_computation_lowered:
.L_overlay_start_0:
0x88: {  	s2 =	sld [smem:$0x3FD9]  }
0x89: {  	s3 =	sld [smem:$0x3FFE];
	_ =	sdelay $0x1  }
0x8a: {  	s1 =	srdreg.scid  }
0x8b: {  	s0 =	sand.u32 $0x1, s1  }
0x8c: {  	s17 =	sshll.u32 s0, $0xA;
	s2 =	sadd.s32 s3, s2  }
0x8d: {  	s2 =	sadd.s32 s2, s17  }
0x8e: {  	[smem:$0x3FBF] =	sst s2  }
0x8f: {  	_ = 	snop  }
0x90: {  	s2 =	sld [smem:$0x3FC8]  }
0x91: {  	s18 =	sld [smem:$0x3FC7]  }
0x92: {  	s4 =	sld [smem:$0x3FC6]  }
0x93: {  	s5 =	sld [smem:$0x3FC5]  }
0x94: {  	s6 =	sld [smem:$0x3FC4]  }
0x95: {  	s7 =	sld [smem:$0x3FC3]  }
0x96: {  	s8 =	sld [smem:$0x3FD0];
	(tm) =	ssettm $0x1  }
0x97: {  	s9 =	sld [smem:$0x3FFB];
	_ =	sdelay $0x3  }
0x98: {  	_ =	strace s9  }
0x99: {  	s9 =	sld [smem:$0x3FFC];
	_ =	sdelay $0x3  }
0x9a: {  	_ =	strace s9  }
0x9b: {  	s9 =	sld [smem:$0x3FFD];
	_ =	sdelay $0x3  }
0x9c: {  	_ =	strace s9  }
0x9d: {  	_ =	strace $0x8FFFFFFF  }
0x9e: {  	s19 =	sld [smem:$0x3FDB];
	_ =	sdelay $0x1  }
0x9f: {  	s10 =	simm.s32 $_scs_section_size  }
0xa0: {  	s11 =	simm.s32 $_size__tile_overlayer_lowered;
	s12 =	simm.s32 $_tile_overlayer_lowered  }
0xa1: {  	s22 =	simm.s32 $0x1BFF;
	s21 =	sshll.u32 s12, $0x1;
	s9 =	sadd.s32 s10, s19  }
0xa2: {  	s13 =	simm.s32 $0x0;
	s20 =	sshll.u32 s11, $0x1;
	s11 =	sadd.s32 s21, s9  }
0xa3: {  	[timem:s13], [sflag:s22] =	dma.local [hbm:s11], s20  }
0xa4: {  	_ =	swait.ge [sflag:s22], s20  }
0xa5: {  	s10 =	ssub.s32 $0x0, s20;
	[sflag:s22] =	ssyncset.done $0x0  }
0xa6: {  	[sflag:s22] =	ssyncadd.s32 s10;
	_ =	sdelay $0x1  }
0xa7: {  	s23 =	simm.s32 $0x1B8B  }
0xa8: {  	_ =	swait.ge [sflag:s23], $0x1  }
0xa9: {  	[sflag:s23] =	ssyncset.done $0x0  }
0xaa: {  	s25 =	simm.s32 $0x1B8E;
	s24 =	sld [smem:$0x3FFE];
	[sflag:s23] =	ssyncadd.s32 $0xFFFFFFFF  }
0xab: {  	s26 =	simm.s32 $execute0_lowered;
	[smem:$0x3FD2] =	sst s25  }
0xac: {  	s11 =	sshll.u32 s26, $0x1;
	_ =	strace $0x80000046;
	[dreg:$0x1] =	wrdreg $0xFFFFFFFF  }
0xad: {  	s28 =	simm.s32 $_size_execute0_lowered;
	s9 =	sadd.s32 s9, s11;
	[dreg:$0x0] =	wrdreg $0x0  }
0xae: {  	s11 =	sshll.u32 s28, $0x1;
	[dreg:$0x2] =	wrdreg s9  }
0xaf: {  	[dreg:$0x3] =	wrdreg s11  }
0xb0: {  	[dreg:$0x4] =	wrdreg $0xC0  }
0xb1: {  	_ =	task [dreg:s13], $0x5FFFF  }
0xb2: {  	[dreg:$0x1] =	wrdreg $0xFFFFFFFF  }
0xb3: {  	[dreg:$0x0] =	wrdreg $0x60  }
0xb4: {  	[dreg:$0x2] =	wrdreg s24  }
0xb5: {  	[dreg:$0x3] =	wrdreg s2  }
0xb6: {  	[dreg:$0x4] =	wrdreg s18  }
0xb7: {  	[dreg:$0x5] =	wrdreg s4  }
0xb8: {  	[dreg:$0x6] =	wrdreg s5  }
0xb9: {  	[dreg:$0x7] =	wrdreg s6  }
0xba: {  	[dreg:$0x8] =	wrdreg s7  }
0xbb: {  	[dreg:$0x9] =	wrdreg s8  }
0xbc: {  	[dreg:$0xa] =	wrdreg $0x9  }
0xbd: {  	_ =	task.clear_ibuf [dreg:s13], $0xBFFFF;
	_ =	strace $0x90000046  }
0xbe: {  	s29 =	simm.s32 $0x9;
	_ =	strace $0x80000048  }
0xbf: {  	_ =	swait.ge [sflag:s29], $0x1  }
0xc0: {  	[sflag:s29] =	ssyncadd.s32 $0xFFFFFFFF  }
0xc1: {  	_ =	strace $0x90000048  }
0xc2: {  	_ =	sfence  }
0xc3: {  	s30 =	sld [smem:$0x0];
	_ =	sdelay $0x2  }
0xc4: {  	s31 =	sshll.u32 s1, $0xD;
	s1 =	sshrl.u32 s1, $0x2  }
0xc5: {  	s3 =	sand.u32 $0x4000, s31;
	s1 =	sadd.s32 s1, s30  }
0xc6: {  	s0 =	sor.u32 s3, s0;
	s1 =	sshll.u32 s1, $0x11  }
0xc7: {  	s0 =	sor.u32 s1, s0  }
0xc8: {  	s0 =	sadd.s32 $0x8F2B, s0  }
0xc9: {  	[sflag:s0] =	ssyncadd.remote.s32 $0x1  }
0xca: {  	_ =	sfence.sel $0xFFFF  }
0xcb: {  	[dreg:$0x0] =	wrdreg $0xFFFFFFFF;
	(pc) =	sbr.abs _section_cstart, $3  }
0xcc: {  	[dreg:$0x1] =	wrdreg $0xFFFFFFFF  }
0xcd: {  	_ =	task.clear_ibuf [dreg:s13], $0x2FFFF;
	_ =	strace $0x9FFFFFFF  }
0xce: {  	(tm) =	ssettm $0x7FFFFFFF  }
0xcf: {  	_ =	shalt  }
tec
execute0_lowered:
.L_overlay_start_1:
0x0: {  	(tag) =	ssettag $0x1  }
0x1: {  	s0 =	rddreg [dreg:$0x0]  }
0x2: {  	s4 =	rddreg [dreg:$0x1]  }
0x3: {  	s5 =	rddreg [dreg:$0x2]  }
0x4: {  	s6 =	rddreg [dreg:$0x3]  }
0x5: {  	s7 =	rddreg [dreg:$0x4]  }
0x6: {  	s11 =	rddreg [dreg:$0x5]  }
0x7: {  	s8 =	rddreg [dreg:$0x7]  }
0x8: {  	s1 =	srdreg.scid;
	s2 =	stileid.u32;
	s9 =	simm.s32 $0x0  }
0x9: {  	s12 =	simm.s32 $0x5F80;
	s13 =	simm.s32 $0x7F80;
	s1 =	sand.u32 $0x1, s1  }
0xa: {  	s2 =	sshll.u32 s2, $0xA;
	[smem:$0x7FF] =	sst s9;
	s14 =	sadd.s32 $0xC00, s0  }
0xb: {  	s18 =	sadd.s32 $0x100, s4;
	_ =	strace $0x80000047;
	[dreg:$0x9] =	wrdreg s14  }
0xc: {  	s19 =	sadd.s32 $0x200, s4;
	s20 =	sadd.s32 $0x300, s4;
	[dreg:$0xc] =	wrdreg s18  }
0xd: {  	s30 =	sadd.s32 $0x100, s5;
	s21 =	sadd.s32 $0x200, s5;
	[dreg:$0xd] =	wrdreg s19  }
0xe: {  	s22 =	sadd.s32 $0x300, s5;
	s23 =	sadd.s32 $0x100, s6;
	[dreg:$0xe] =	wrdreg s20  }
0xf: {  	s24 =	sadd.s32 $0x200, s6;
	s25 =	sadd.s32 $0x300, s6;
	[dreg:$0x10] =	wrdreg s21  }
0x10: {  	s31 =	sadd.s32 $0x100, s7;
	s26 =	sadd.s32 $0x200, s7;
	[dreg:$0x11] =	wrdreg s22  }
0x11: {  	s28 =	sadd.s32 $0x300, s7;
	s29 =	sadd.s32 $0x100, s11;
	[dreg:$0x12] =	wrdreg s23  }
0x12: {  	s6 =	sadd.s32 $0x300, s11;
	s7 =	simm.s32 $0x8080;
	[dreg:$0x13] =	wrdreg s24  }
0x13: {  	s4 =	simm.s32 $0x3780;
	s5 =	simm.s32 $0x3F80;
	[dreg:$0x15] =	wrdreg s25  }
0x14: {  	s3 =	sshll.u32 s1, $0x9;
	s1 =	ssub.s32 $0x2, s1;
	[dreg:$0x17] =	wrdreg s26  }
0x15: {  	s18 =	sadd.s32 $0x200, s8;
	s19 =	sadd.s32 $0x300, s8;
	[dreg:$0x18] =	wrdreg s28  }
0x16: {  	[dreg:$0x19] =	wrdreg s29;
	s25 =	simm.s32 $0xA80;
	s14 =	simm.s32 $0x4780  }
0x17: {  	s20 =	simm.s32 $0x1;
	s22 =	simm.s32 $0x0;
	[dreg:$0xf] =	wrdreg s30  }
0x18: {  	[dreg:$0x16] =	wrdreg s31;
	s10 =	sor.u32 s3, s2;
	s15 =	sshrl.u32 s1, $0x1  }
0x19: {  	s3 =	simm.s32 $0x2F80;
	s2 =	sshrl.u32 s10, $0x3;
	s16 =	ssub.s32 s1, s15  }
.Ltmp0:
0x1a: {  	s2 =	sadd.s32 s2, s0;
	s0 =	sadd.s32 $0xE00, s0;
	(pc) =	sbr.rel .LBB2_1-.Ltmp0, $4  }
0x1b: {  	s1 =	simm.s32 $0x2780;
	s15 =	simm.s32 $0x4F80;
	[dreg:$0xa] =	wrdreg s0  }
0x1c: {  	v0 =	vlaneseq.u32;
	v1 =	vimm.s32 $0x0;
	s17 =	sadd.s32 $0x400, s2;
	s0 =	smax.u32 s16, $0x1;
	s2 =	sadd.s32 $0x200, s11  }
0x1d: {  	v2 =	vimm.s32 $0x5;
	vm0 =	vmmov $0xffff;
	v4 =	vshrl.u32 v0, $0x3;
	s11 =	simm.s32 $0x1500;
	s16 =	simm.s32 $0x5780;
	[dreg:$0xb] =	wrdreg s17  }
0x1e: {  	v3 =	vand.u32 $0x7, v0;
	v5 =	vor.u32 $0x8, v0;
	v4 =	vmul.u32 $0x8, v4;
	s17 =	sadd.s32 $0x100, s8;
	[dreg:$0x14] =	wrdreg s0;
	s0 =	simm.s32 $0x1F80  }
.LBB2_33:
0x1f: {  	s22 =	rddreg [dreg:$0x1a]  }
0x20: {  	s21 =	rddreg [dreg:$0x14];
	s22 =	sadd.s32 $0x1, s22  }
0x21: {  	p0 =	sne.s32 s22, s21  }
.Ltmp1:
0x22: {  	_ = 	snop;
	(pc) =	sbr.rel @!p0 .LBB2_34-.Ltmp1, $1  }
0x23: {  	_ =	sdelay $0x3  }
.LBB2_1:
0x24: {  	[dreg:$0x1a] =	wrdreg s22  }
0x25: {  	s21 =	rddreg [dreg:$0xb];
	s26 =	simm.s32 $0x2  }
0x26: {  	[tilespmem:s7], [sflag:$0x2] =	stream.linear.gather [hbm4b:s21+s9], $0x200, $0x38;
	[tilespmem:$0x8280] =	vst v63  }
0x27: {  	_ =	swait.ge [sflag:s26], $0x200  }
0x28: {  	[sflag:s26] =	ssyncset.done $0x0  }
0x29: {  	[sflag:s26] =	ssyncadd.s32 $0xFFFFFE00  }
0x2a: {  	s28 =	rddreg [dreg:$0x6]  }
0x2b: {  	[tilespmem:s12], [sflag:$0x2] =	stream.linear.gather [hbm4b:s28+s9], $0x2000, $0x38;
	[tilespmem:$0x8280] =	vst v63  }
0x2c: {  	_ =	swait.ge [sflag:s26], $0x2000  }
0x2d: {  	[sflag:s26] =	ssyncset.done $0x0  }
0x2e: {  	s29 =	rddreg [dreg:$0x9];
	[sflag:s26] =	ssyncadd.s32 $0xFFFFE000  }
0x2f: {  	[tilespmem:s13], [sflag:$0x2] =	stream.linear.gather [hbm4b:s29+s9], $0x80, $0x38;
	[tilespmem:$0x8280] =	vst v63  }
0x30: {  	_ =	swait.ge [sflag:s26], $0x80  }
0x31: {  	[sflag:s26] =	ssyncset.done $0x0  }
0x32: {  	v6 =	vor.u32 s9, v0;
	s23 =	simm.s32 $0x8000;
	s30 =	rddreg [dreg:$0xa];
	[sflag:s26] =	ssyncadd.s32 $0xFFFFFF80  }
0x33: {  	[tilespmem:s23], [sflag:$0x2] =	stream.linear.gather [hbm4b:s30+s9], $0x80, $0x38;
	[tilespmem:$0x8280] =	vst v63  }
0x34: {  	_ =	swait.ge [sflag:s26], $0x80  }
0x35: {  	[sflag:s26] =	ssyncset.done $0x0  }
0x36: {  	[sflag:s26] =	ssyncadd.s32 $0xFFFFFF80  }
0x37: {  	v6 =	vld.idx.msk [tilespmem:v6+s7+$0x0], $0xffff;
	_ =	sdelay $0x4  }
0x38: {  	v7 =	vsub.s32 $0x0, v6  }
0x39: {  	v7 =	vmin.u32 v6, v7  }
0x3a: {  	vm6 =	vgt.s32 v7, $0x4  }
0x3b: {  	vm7 =	vgt.s32 v7, $0x36;
	v8 =	vsel vm6, $0x37, v2  }
0x3c: {  	vm1 =	vgt.s32 v7, $0x25C;
	v8 =	vsel vm7, $0x25D, v8  }
0x3d: {  	vm2 =	vgt.s32 v7, $0x19FE;
	v8 =	vsel vm1, $0x19FF, v8  }
0x3e: {  	v8 =	vsel vm2, $0x11DF5, v8  }
0x3f: {  	v10 =	vld [tilespmem:$0x8000];
	v6 =	vsub.s32 v8, v6  }
0x40: {  	v6 =	vcvt.s32.f32 v6;
	_ =	sdelay $0x1  }
0x41: {  	v6 =	vsub.f32 $0.0e+00, v6;
	_ =	sdelay $0x1  }
0x42: {  	v6 =	vmul.f32 v6, v10;
	_ =	sdelay $0x1  }
0x43: {  	v6 =	vmul.f32 $1.442695020e+00, v6;
	_ =	sdelay $0x1  }
0x44: {  	(erf) = vpow2.f32 v6  }
0x45: {  	v9 =	vsel vm7, $0x1, v1;
	v6 =	vsel vm6, $0x1, v1  }
0x46: {  	v6 =	vadd.s32 v9, v6;
	v9 =	vsel vm1, $0x1, v1  }
0x47: {  	v6 =	vadd.s32 v9, v6;
	v9 =	vsel vm2, $0x1, v1  }
0x48: {  	v6 =	vadd.s32 v9, v6  }
0x49: {  	vm4 =	veq.s32 v6, $0x0  }
0x4a: {  	v9 =	vsel vm4, $0x1, v1;
	_ =	sdelay $0x2  }
0x4b: {  	(xrf0) =	vadd.scan.msk.s32 $0xffff, v9;
	v9 =	vpop (erf)  }
0x4c: {  	v9 =	vadd.f32 $1.000000000e+00, v9  }
0x4d: {  	vm5 =	veq.s32 v6, $0x1;
	vm3 =	veq.s32 v6, $0x2  }
0x4e: {  	v11 =	vsel vm5, $0x1, v1;
	(erf) = vrcp.f32 v9;
	v9 =	vsel vm6, $0x5, v1  }
0x4f: {  	(xrf0) =	vadd.scan.msk.s32 $0xffff, v11;
	v11 =	vsel vm3, $0x1, v1;
	v9 =	vsel vm7, $0x37, v9  }
0x50: {  	v9 =	vsel vm1, $0x25D, v9  }
0x51: {  	(xrf0) =	vadd.scan.msk.s32 $0xffff, v11;
	v9 =	vsel vm2, $0x19FF, v9;
	vm2 =	veq.s32 v6, $0x3  }
0x52: {  	v11, _, _ =	vpop (xrf0);
	v13 =	vsel vm2, $0x1, v1  }
0x53: {  	v11 =	vadd.s32 v11, v1;
	v7 =	vsub.s32 v7, v9  }
0x54: {  	v12 =	vld.idx.msk [tilespmem:v6+s13+$0x0], $0xffff;
	v11 =	vadd.s32 $0xFFFFFFFF, v11;
	vm1 =	vgt.s32 v7, $0x0  }
0x55: {  	v9 =	vxor.u32 $0xFFFFFFFF, v9;
	(xrf0) =	vadd.scan.msk.s32 $0xffff, v13;
	v7 =	vnsel vm1, $0x0, v7;
	v13, _, _ =	vpop (xrf0)  }
0x56: {  	v8 =	vadd.s32 v9, v8;
	v9 =	vadd.s32 v13, v1  }
0x57: {  	vm1 =	vlt.s32 v8, v7;
	v13, _, _ =	vpop (xrf0);
	v9 =	vadd.s32 $0x20F, v9  }
0x58: {  	s31 =	sadd.s32 $0x0, s10;
	v17 =	vsel vm1, v8, v7;
	v7 =	vpop (erf);
	v8 =	vadd.s32 v13, v1  }
0x59: {  	v18 =	vor.u32 s31, v0;
	vm1 =	veq.s32 v6, $0x4;
	[tilespmem:v11+s9+$0x0] =	vst.idx.msk vm4, v17;
	v19 =	vmul.f32 v7, v12  }
0x5a: {  	v6 =	vsel vm1, $0x1, v1;
	[tilespmem:v11+s25+$0x0] =	vst.idx.msk vm4, v18;
	v7 =	vadd.s32 $0x41F, v8  }
0x5b: {  	v8, _, _ =	vpop (xrf0);
	[tilespmem:v11+s11+$0x0] =	vst.idx.msk vm4, v19;
	(xrf0) =	vadd.scan.msk.s32 $0xffff, v6  }
0x5c: {  	[tilespmem:v9+s9+$0x0] =	vst.idx.msk vm5, v17  }
0x5d: {  	v12 =	vmpcnt.ones.xlane vm2;
	[tilespmem:v9+s25+$0x0] =	vst.idx.msk vm5, v18  }
0x5e: {  	[tilespmem:v9+s11+$0x0] =	vst.idx.msk vm5, v19  }
0x5f: {  	v6 =	vadd.s32 v8, v1;
	[tilespmem:v7+s9+$0x0] =	vst.idx.msk vm3, v17  }
0x60: {  	v11 =	vadd.s32 $0x62F, v6;
	[tilespmem:v7+s25+$0x0] =	vst.idx.msk vm3, v18  }
0x61: {  	[tilespmem:v7+s11+$0x0] =	vst.idx.msk vm3, v19;
	v7 =	vadd.s32 v1, v12;
	v12, _, _ =	vpop (xrf0)  }
0x62: {  	v13 =	vmpcnt.ones.xlane vm1;
	v12 =	vadd.s32 v12, v1  }
0x63: {  	v8 =	vmpcnt.ones.xlane vm5;
	v6 =	vmpcnt.ones.xlane vm4;
	v20 =	vadd.s32 $0x83F, v12  }
0x64: {  	v9 =	vmpcnt.ones.xlane vm3  }
0x65: {  	s21 =	simm.s32 $0x10;
	v16 =	vadd.s32 v1, v6;
	v6 =	vadd.s32 v1, v8;
	[tilespmem:v11+s9+$0x0] =	vst.idx.msk vm2, v17  }
0x66: {  	v21 =	vor.u32 s21, v0;
	v8 =	vadd.s32 v1, v9;
	v9 =	vadd.s32 v1, v13;
	[tilespmem:v11+s25+$0x0] =	vst.idx.msk vm2, v18  }
0x67: {  	s22 =	simm.s32 $0x20;
	v15 =	vmovc v16;
	v13 =	vmovc v6;
	v14 =	vmov v8;
	[tilespmem:v11+s11+$0x0] =	vst.idx.msk vm2, v19;
	v11 =	vmov v9;
	v12 =	vmov v7  }
.LBB2_2:
0x68: {  	p0 =	sne.s32 s22, $0x1F0;
	[tilespmem:v20+s9+$0x0] =	vst.idx.msk vm1, v17;
	s23 =	smov.u32 s22;
	s22 =	sadd.s32 $0x10, s22  }
0x69: {  	[tilespmem:v20+s25+$0x0] =	vst.idx.msk vm1, v18  }
0x6a: {  	[tilespmem:v20+s11+$0x0] =	vst.idx.msk vm1, v19  }
0x6b: {  	v17 =	vld.idx.msk [tilespmem:v21+s7+$0x0], $0xffff;
	_ =	sdelay $0x5  }
0x6c: {  	v18 =	vsub.s32 $0x0, v17  }
0x6d: {  	v18 =	vmin.u32 v17, v18  }
0x6e: {  	vm1 =	vgt.s32 v18, $0x4;
	vm2 =	vgt.s32 v18, $0x25C  }
0x6f: {  	vm3 =	vgt.s32 v18, $0x36;
	vm4 =	vgt.s32 v18, $0x19FE;
	v19 =	vsel vm1, $0x37, v2  }
0x70: {  	v20 =	vsel vm1, $0x1, v1;
	v21 =	vsel vm3, $0x1, v1;
	v19 =	vsel vm3, $0x25D, v19  }
0x71: {  	v20 =	vadd.s32 v21, v20;
	v21 =	vsel vm2, $0x1, v1;
	v19 =	vsel vm2, $0x19FF, v19  }
0x72: {  	v20 =	vadd.s32 v21, v20;
	v21 =	vsel vm4, $0x1, v1;
	v19 =	vsel vm4, $0x11DF5, v19  }
0x73: {  	v22 =	vsel vm1, $0x5, v1;
	v20 =	vadd.s32 v21, v20;
	v17 =	vsub.s32 v19, v17  }
0x74: {  	v21 =	vsel vm3, $0x37, v22;
	v17 =	vcvt.s32.f32 v17  }
0x75: {  	v21 =	vsel vm2, $0x25D, v21  }
0x76: {  	v21 =	vsel vm4, $0x19FF, v21;
	v17 =	vsub.f32 $0.0e+00, v17  }
0x77: {  	v18 =	vsub.s32 v18, v21;
	v21 =	vxor.u32 $0xFFFFFFFF, v21  }
0x78: {  	vm1 =	vgt.s32 v18, $0x0;
	v17 =	vmul.f32 v17, v10  }
0x79: {  	v19 =	vadd.s32 v21, v19;
	v18 =	vnsel vm1, $0x0, v18  }
0x7a: {  	vm6 =	vlt.s32 v19, v18;
	v17 =	vmul.f32 $1.442695020e+00, v17;
	_ =	sdelay $0x1  }
0x7b: {  	(erf) = vpow2.f32 v17;
	_ =	sdelay $0x5  }
0x7c: {  	vm3 =	veq.s32 v20, $0x0  }
0x7d: {  	v22 =	vsel vm3, $0x1, v1;
	v21 =	vmpcnt.ones.xlane vm3  }
0x7e: {  	(xrf0) =	vadd.scan.msk.s32 $0xffff, v22  }
0x7f: {  	vm2 =	veq.s32 v20, $0x1;
	v16 =	vadd.s32 v16, v21;
	v17 =	vpop (erf)  }
0x80: {  	v21 =	vsel vm2, $0x1, v1;
	v22 =	vmpcnt.ones.xlane vm2;
	v17 =	vadd.f32 $1.000000000e+00, v17  }
0x81: {  	(xrf0) =	vadd.scan.msk.s32 $0xffff, v21  }
0x82: {  	vm4 =	veq.s32 v20, $0x2;
	v6 =	vadd.s32 v6, v22;
	(erf) = vrcp.f32 v17  }
0x83: {  	v21 =	vmpcnt.ones.xlane vm4;
	v17 =	vsel vm4, $0x1, v1  }
0x84: {  	vm5 =	veq.s32 v20, $0x3;
	v22, _, _ =	vpop (xrf0);
	(xrf0) =	vadd.scan.msk.s32 $0xffff, v17  }
0x85: {  	v8 =	vadd.s32 v8, v21;
	v21 =	vsel vm5, $0x1, v1;
	v23 =	vld.idx.msk [tilespmem:v20+s13+$0x0], $0xffff;
	v17 =	vadd.s32 v22, v15;
	v15 =	vmovc v16  }
0x86: {  	v22 =	vadd.s32 $0xFFFFFFFF, v17;
	v17 =	vmpcnt.ones.xlane vm5;
	(xrf0) =	vadd.scan.msk.s32 $0xffff, v21  }
0x87: {  	vm1 =	veq.s32 v20, $0x4;
	v20, _, _ =	vpop (xrf0)  }
0x88: {  	v20 =	vadd.s32 v20, v13;
	v7 =	vadd.s32 v7, v17;
	v17 =	vsel vm1, $0x1, v1;
	v13 =	vmovc v6  }
0x89: {  	v24 =	vmpcnt.ones.xlane vm1;
	v20 =	vadd.s32 $0x20F, v20;
	(xrf0) =	vadd.scan.msk.s32 $0xffff, v17  }
0x8a: {  	s24 =	sadd.s32 s21, s10;
	s21 =	smov.u32 s23;
	v17 =	vsel vm6, v19, v18;
	v19, _, _ =	vpop (xrf0)  }
0x8b: {  	v9 =	vadd.s32 v9, v24;
	v18 =	vor.u32 s24, v0;
	[tilespmem:v22+s9+$0x0] =	vst.idx.msk vm3, v17;
	v25 =	vadd.s32 v19, v14;
	v19 =	vpop (erf)  }
0x8c: {  	v14 =	vmov v8;
	v19 =	vmul.f32 v19, v23;
	[tilespmem:v22+s25+$0x0] =	vst.idx.msk vm3, v18;
	v23 =	vadd.s32 $0x41F, v25;
	v21, _, _ =	vpop (xrf0)  }
0x8d: {  	v24 =	vadd.s32 v21, v12;
	v12 =	vmov v7  }
0x8e: {  	[tilespmem:v22+s11+$0x0] =	vst.idx.msk vm3, v19;
	v22 =	vadd.s32 $0x62F, v24  }
0x8f: {  	[tilespmem:v20+s9+$0x0] =	vst.idx.msk vm2, v17;
	v21, _, _ =	vpop (xrf0)  }
0x90: {  	[tilespmem:v20+s25+$0x0] =	vst.idx.msk vm2, v18;
	v21 =	vadd.s32 v21, v11;
	v11 =	vmov v9  }
0x91: {  	[tilespmem:v20+s11+$0x0] =	vst.idx.msk vm2, v19;
	v20 =	vadd.s32 $0x83F, v21  }
0x92: {  	[tilespmem:v23+s9+$0x0] =	vst.idx.msk vm4, v17  }
.Ltmp2:
0x93: {  	[tilespmem:v23+s25+$0x0] =	vst.idx.msk vm4, v18;
	(pc) =	sbr.rel @p0 .LBB2_2-.Ltmp2, $4  }
0x94: {  	v21 =	vor.u32 s21, v0;
	[tilespmem:v23+s11+$0x0] =	vst.idx.msk vm4, v19  }
0x95: {  	[tilespmem:v22+s9+$0x0] =	vst.idx.msk vm5, v17  }
0x96: {  	[tilespmem:v22+s25+$0x0] =	vst.idx.msk vm5, v18  }
0x97: {  	[tilespmem:v22+s11+$0x0] =	vst.idx.msk vm5, v19  }
0x98: {  	_ =	sdelay $0x4  }
0x99: {  	[tilespmem:v20+s9+$0x0] =	vst.idx.msk vm1, v17  }
0x9a: {  	[tilespmem:v20+s25+$0x0] =	vst.idx.msk vm1, v18  }
0x9b: {  	[tilespmem:v20+s11+$0x0] =	vst.idx.msk vm1, v19  }
0x9c: {  	v17 =	vld.idx.msk [tilespmem:v21+s7+$0x0], $0xffff;
	_ =	sdelay $0x4  }
0x9d: {  	v48 =	vsub.s32 $0x0, v17  }
0x9e: {  	v18 =	vmin.u32 v17, v48  }
0x9f: {  	vm8 =	vgt.s32 v18, $0x4  }
0xa0: {  	vm9 =	vgt.s32 v18, $0x36;
	v49 =	vsel vm8, $0x37, v2  }
0xa1: {  	vm7 =	vgt.s32 v18, $0x25C;
	v19 =	vsel vm9, $0x25D, v49  }
0xa2: {  	vm6 =	vgt.s32 v18, $0x19FE;
	v19 =	vsel vm7, $0x19FF, v19  }
0xa3: {  	v19 =	vsel vm6, $0x11DF5, v19  }
0xa4: {  	v17 =	vsub.s32 v19, v17  }
0xa5: {  	v17 =	vcvt.s32.f32 v17;
	_ =	sdelay $0x1  }
0xa6: {  	v17 =	vsub.f32 $0.0e+00, v17;
	_ =	sdelay $0x1  }
0xa7: {  	v50 =	vsel vm8, $0x1, v1;
	v51 =	vsel vm9, $0x1, v1;
	v10 =	vmul.f32 v17, v10  }
0xa8: {  	v53 =	vsel vm7, $0x1, v1;
	v52 =	vadd.s32 v51, v50  }
0xa9: {  	v54 =	vsel vm6, $0x1, v1;
	v17 =	vadd.s32 v53, v52;
	v10 =	vmul.f32 $1.442695020e+00, v10  }
0xaa: {  	v17 =	vadd.s32 v54, v17  }
0xab: {  	vm5 =	veq.s32 v17, $0x0;
	(erf) = vpow2.f32 v10  }
0xac: {  	vm1 =	veq.s32 v17, $0x1;
	v10 =	vsel vm5, $0x1, v1  }
0xad: {  	vm2 =	veq.s32 v17, $0x2;
	(xrf0) =	vadd.scan.msk.s32 $0xffff, v10;
	v10 =	vsel vm1, $0x1, v1  }
0xae: {  	vm3 =	veq.s32 v17, $0x3;
	v55 =	vmpcnt.ones.xlane vm5;
	(xrf0) =	vadd.scan.msk.s32 $0xffff, v10;
	v10 =	vsel vm2, $0x1, v1  }
0xaf: {  	vm4 =	veq.s32 v17, $0x4;
	(xrf0) =	vadd.scan.msk.s32 $0xffff, v10;
	v10 =	vsel vm3, $0x1, v1  }
0xb0: {  	v16 =	vadd.s32 v16, v55;
	(xrf0) =	vadd.scan.msk.s32 $0xffff, v10;
	v10 =	vsel vm4, $0x1, v1  }
0xb1: {  	(xrf0) =	vadd.scan.msk.s32 $0xffff, v10;
	v10 =	vxor.u32 $0x80000000, v16;
	_ =	sdelay $0x1  }
0xb2: {  	v56, _, _ =	vpop (xrf0)  }
0xb3: {  	(xrf0) =	vmax.scan.msk.u32 $0xffff, v10;
	v10 =	vpop (erf)  }
0xb4: {  	v10 =	vadd.f32 $1.000000000e+00, v10;
	_ =	sdelay $0x1  }
0xb5: {  	v57, _, _ =	vpop (xrf0)  }
0xb6: {  	v22, _, _ =	vpop (xrf0)  }
0xb7: {  	(erf) = vrcp.f32 v10;
	v10, _, _ =	vpop (xrf0)  }
0xb8: {  	v23 =	vsel vm8, $0x5, v1;
	v24, _, _ =	vpop (xrf0)  }
0xb9: {  	v23 =	vsel vm9, $0x37, v23;
	v25, _, _ =	vpop (xrf0)  }
0xba: {  	v23 =	vsel vm7, $0x25D, v23;
	(v2sf) =	vpush v25, $0xF  }
0xbb: {  	v58 =	vsel vm6, $0x19FF, v23;
	v15 =	vadd.s32 v56, v15  }
0xbc: {  	v18 =	vsub.s32 v18, v58;
	v17 =	vld.idx.msk [tilespmem:v17+s13+$0x0], $0xffff;
	v15 =	vadd.s32 $0xFFFFFFFF, v15  }
0xbd: {  	v20 =	vxor.u32 $0xFFFFFFFF, v58;
	vm15 =	vgt.s32 v18, $0x0  }
0xbe: {  	v19 =	vadd.s32 v20, v19;
	v18 =	vnsel vm15, $0x0, v18;
	v13 =	vadd.s32 v57, v13  }
0xbf: {  	vm6 =	vlt.s32 v19, v18;
	v13 =	vadd.s32 $0x20F, v13  }
0xc0: {  	s21 =	sadd.s32 s21, s10;
	v18 =	vsel vm6, v19, v18;
	v59 =	vpop (erf)  }
0xc1: {  	v60 =	vor.u32 s21, v0;
	v14 =	vadd.s32 v22, v14;
	[tilespmem:v15+s9+$0x0] =	vst.idx.msk vm5, v18;
	v17 =	vmul.f32 v59, v17  }
0xc2: {  	v14 =	vadd.s32 $0x41F, v14;
	[tilespmem:v15+s25+$0x0] =	vst.idx.msk vm5, v60  }
0xc3: {  	[tilespmem:v15+s11+$0x0] =	vst.idx.msk vm5, v17  }
0xc4: {  	v10 =	vadd.s32 v10, v12;
	[tilespmem:v13+s9+$0x0] =	vst.idx.msk vm1, v18  }
0xc5: {  	v10 =	vadd.s32 $0x62F, v10;
	[tilespmem:v13+s25+$0x0] =	vst.idx.msk vm1, v60  }
0xc6: {  	[tilespmem:v13+s11+$0x0] =	vst.idx.msk vm1, v17  }
0xc7: {  	v11 =	vadd.s32 v24, v11;
	[tilespmem:v14+s9+$0x0] =	vst.idx.msk vm2, v18  }
0xc8: {  	v11 =	vadd.s32 $0x83F, v11;
	[tilespmem:v14+s25+$0x0] =	vst.idx.msk vm2, v60  }
0xc9: {  	[tilespmem:v14+s11+$0x0] =	vst.idx.msk vm2, v17;
	s22 =	spop (v2sf)  }
0xca: {  	[tilespmem:v10+s9+$0x0] =	vst.idx.msk vm3, v18;
	p0 =	slt.u32 s22, $0x80000001  }
0xcb: {  	[tilespmem:v10+s25+$0x0] =	vst.idx.msk vm3, v60;
	v12 =	vadd.s32 @!p0 $0xFFFFFFFF, v16  }
0xcc: {  	[tilespmem:v10+s11+$0x0] =	vst.idx.msk vm3, v17  }
0xcd: {  	[tilespmem:v11+s9+$0x0] =	vst.idx.msk vm4, v18  }
0xce: {  	[tilespmem:v11+s25+$0x0] =	vst.idx.msk vm4, v60  }
0xcf: {  	v10 =	vlaneseq.u32 @!p0;
	s21 =	simm.s32 @!p0 $0x0;
	[tilespmem:v11+s11+$0x0] =	vst.idx.msk vm4, v17  }
0xd0: {  	v11 =	vadd.s32 @!p0 v10, v16;
	v10 =	vld.idx.msk @!p0 [tilespmem:v12+s21+$0x0], $0xffff;
	_ =	sdelay $0x4  }
0xd1: {  	s23 =	simm.s32 @!p0 $0xA80;
	[tilespmem:v11+s21+$0x0] =	vst.idx.msk @!p0 $0xffff, v10  }
0xd2: {  	v10 =	vld.idx.msk @!p0 [tilespmem:v12+s23+$0x0], $0xffff;
	_ =	sdelay $0x2  }
0xd3: {  	s22 =	sadd.s32 @!p0 $0x8000000F, s22  }
0xd4: {  	s22 =	sshra.s32 @!p0 s22, $0x4  }
0xd5: {  	p1 =	slt.s32 @!p0 s22, $0x1;
	[tilespmem:v11+s23+$0x0] =	vst.idx.msk @!p0 $0xffff, v10;
	s23 =	simm.s32 @!p0 $0x1500  }
0xd6: {  	p1 =	por p0, p1;
	v12 =	vld.idx.msk @!p0 [tilespmem:v12+s23+$0x0], $0xffff  }
.Ltmp3:
0xd7: {  	_ = 	snop;
	(pc) =	sbr.rel @p1 .LBB2_9-.Ltmp3, $4  }
0xd8: {  	v61 =	vmpcnt.ones.xlane vm2;
	v62 =	vmpcnt.ones.xlane vm3  }
0xd9: {  	v63 =	vmpcnt.ones.xlane vm4;
	v10 =	vmpcnt.ones.xlane vm1  }
0xda: {  	v8 =	vadd.s32 v8, v61;
	v7 =	vadd.s32 v7, v62  }
0xdb: {  	v10 =	vadd.s32 v6, v10;
	v6 =	vadd.s32 v9, v63;
	[tilespmem:v11+s23+$0x0] =	vst.idx.msk @!p0 $0xffff, v12  }
.LBB2_4:
0xdc: {  	s23 =	sshll.u32 s21, $0x4  }
0xdd: {  	v9 =	vor.u32 s23, v0;
	_ =	sdelay $0x3  }
0xde: {  	s24 =	simm.s32 $0x0  }
0xdf: {  	v11 =	vld.idx.msk [tilespmem:v9+s24+$0x0], $0xffff;
	_ =	sdelay $0x4  }
0xe0: {  	v12 =	vshll.u32 v11, $0x3  }
0xe1: {  	v11 =	vand.u32 $0x7, v11;
	v12 =	vand.u32 $0xFFFFFFC0, v12  }
0xe2: {  	v11 =	vor.u32 v11, v12  }
0xe3: {  	v12 =	vperm.xlane v11, v3;
	_ =	sdelay $0x1  }
0xe4: {  	v12 =	vadd.s32 v4, v12;
	_ =	sdelay $0x3  }
0xe5: {  	s26 =	rddreg [dreg:$0x1]  }
0xe6: {  	[tilespmem:s0], [sflag:$0x1] =	stream.indirect_vreg.gather [hbm4b:s26+s24], $0x80, v12, vm0, $0xb8;
	[tilespmem:$0x8280] =	vst v63  }
0xe7: {  	s28 =	rddreg [dreg:$0xc];
	v11 =	vperm.xlane v11, v5  }
0xe8: {  	[tilespmem:s1], [sflag:$0x1] =	stream.indirect_vreg.gather [hbm4b:s28+s24], $0x80, v12, vm0, $0xb8;
	[tilespmem:$0x8280] =	vst v63  }
0xe9: {  	s29 =	rddreg [dreg:$0xd];
	v11 =	vadd.s32 v4, v11  }
0xea: {  	[tilespmem:s3], [sflag:$0x1] =	stream.indirect_vreg.gather [hbm4b:s29+s24], $0x80, v12, vm0, $0xb8;
	[tilespmem:$0x8280] =	vst v63  }
0xeb: {  	s30 =	rddreg [dreg:$0xe]  }
0xec: {  	[tilespmem:s4], [sflag:$0x1] =	stream.indirect_vreg.gather [hbm4b:s30+s24], $0x80, v12, vm0, $0xb8;
	[tilespmem:$0x8280] =	vst v63  }
0xed: {  	_ = 	snop  }
0xee: {  	[tilespmem:s5], [sflag:$0x1] =	stream.indirect_vreg.gather [hbm4b:s26+s24], $0x80, v11, vm0, $0xb8;
	[tilespmem:$0x8280] =	vst v63  }
0xef: {  	_ = 	snop  }
0xf0: {  	[tilespmem:s14], [sflag:$0x1] =	stream.indirect_vreg.gather [hbm4b:s28+s24], $0x80, v11, vm0, $0xb8;
	[tilespmem:$0x8280] =	vst v63  }
0xf1: {  	_ = 	snop  }
0xf2: {  	[tilespmem:s15], [sflag:$0x1] =	stream.indirect_vreg.gather [hbm4b:s29+s24], $0x80, v11, vm0, $0xb8;
	[tilespmem:$0x8280] =	vst v63  }
0xf3: {  	_ = 	snop  }
0xf4: {  	[tilespmem:s16], [sflag:$0x1] =	stream.indirect_vreg.gather [hbm4b:s30+s24], $0x80, v11, vm0, $0xb8;
	[tilespmem:$0x8280] =	vst v63  }
0xf5: {  	_ =	swait.ge [sflag:s20], $0x4000  }
0xf6: {  	[sflag:s20] =	ssyncset.done $0x0  }
0xf7: {  	s26 =	simm.s32 $0x0;
	[sflag:s20] =	ssyncadd.s32 $0xFFFFC000  }
.LBB2_5:
0xf8: {  	v11 =	vmov s26;
	s28 =	sor.u32 s23, s26;
	v13 =	vmov s24  }
0xf9: {  	v15 =	vor.u32 s24, v0;
	v12 =	vshll.u32 v11, $0xA;
	v14 =	vmov s28  }
0xfa: {  	v11 =	vshll.u32 v11, $0x7;
	v13 =	vshll.u32 v13, $0x3;
	v15 =	vand.u32 $0x7F, v15  }
0xfb: {  	v12 =	vand.u32 $0x2000, v12;
	v11 =	vand.u32 $0x380, v11;
	v13 =	vand.u32 $0x1C00, v13  }
0xfc: {  	v12 =	vor.u32 v12, v11;
	v15 =	vor.u32 v15, v13  }
0xfd: {  	v13 =	vor.u32 v12, v15;
	_ =	sdelay $0x2  }
0xfe: {  	v11 =	vld.idx.msk [tilespmem:v14+s11+$0x0], $0xffff  }
0xff: {  	v14 =	vld.idx.msk [tilespmem:v15+s12+$0x0], $0xffff  }
0x100: {  	v15 =	vld.idx.msk [tilespmem:v13+s0+$0x0], $0xffff  }
0x101: {  	s28 =	simm.s32 $0x10  }
0x102: {  	s29 =	simm.s32 $0x20;
	v16 =	vmov s28  }
.LBB2_6:
0x103: {  	p0 =	sne.s32 s29, $0x3F0;
	v17 =	vor.u32 s28, v0;
	v16 =	vshll.u32 v16, $0x3;
	s28 =	smov.u32 s29  }
0x104: {  	v17 =	vand.u32 $0x7F, v17;
	v16 =	vand.u32 $0x1C00, v16  }
0x105: {  	v14 =	vadd.f32 v14, v15;
	v16 =	vor.u32 v17, v16  }
0x106: {  	v15 =	vor.u32 v12, v16  }
0x107: {  	v14 =	vmul.f32 v14, v11;
	_ =	sdelay $0x1  }
0x108: {  	[tilespmem:v13+s0+$0x0] =	vst.idx.msk $0xffff, v14;
	v13 =	vmov v15  }
.Ltmp4:
0x109: {  	v14 =	vld.idx.msk [tilespmem:v16+s12+$0x0], $0xffff;
	(pc) =	sbr.rel @p0 .LBB2_6-.Ltmp4, $2  }
0x10a: {  	v15 =	vld.idx.msk [tilespmem:v15+s0+$0x0], $0xffff;
	_ =	sdelay $0x2  }
0x10b: {  	s29 =	sadd.s32 $0x10, s29;
	v16 =	vmov s28  }
0x10c: {  	v17 =	vor.u32 s28, v0;
	v16 =	vshll.u32 v16, $0x3  }
0x10d: {  	v17 =	vand.u32 $0x7F, v17;
	v16 =	vand.u32 $0x1C00, v16  }
0x10e: {  	v14 =	vadd.f32 v14, v15;
	v16 =	vor.u32 v17, v16  }
0x10f: {  	v12 =	vor.u32 v12, v16  }
0x110: {  	v14 =	vmul.f32 v14, v11;
	_ =	sdelay $0x1  }
0x111: {  	[tilespmem:v13+s0+$0x0] =	vst.idx.msk $0xffff, v14  }
0x112: {  	v13 =	vld.idx.msk [tilespmem:v16+s12+$0x0], $0xffff  }
0x113: {  	v14 =	vld.idx.msk [tilespmem:v12+s0+$0x0], $0xffff;
	_ =	sdelay $0x2  }
0x114: {  	s26 =	sadd.s32 $0x1, s26  }
0x115: {  	p0 =	sne.s32 s26, $0x10  }
.Ltmp5:
0x116: {  	v13 =	vadd.f32 v13, v14;
	(pc) =	sbr.rel @p0 .LBB2_5-.Ltmp5, $3  }
0x117: {  	_ = 	snop  }
0x118: {  	v11 =	vmul.f32 v13, v11;
	_ =	sdelay $0x1  }
0x119: {  	[tilespmem:v12+s0+$0x0] =	vst.idx.msk $0xffff, v11  }
0x11a: {  	_ =	sdelay $0x3  }
0x11b: {  	v9 =	vld.idx.msk [tilespmem:v9+s25+$0x0], $0xffff;
	_ =	sdelay $0x4  }
0x11c: {  	v11 =	vshll.u32 v9, $0x3  }
0x11d: {  	v9 =	vand.u32 $0x7, v9;
	v11 =	vand.u32 $0xFFFFFFC0, v11  }
0x11e: {  	v9 =	vor.u32 v9, v11  }
0x11f: {  	v11 =	vperm.xlane v9, v3;
	_ =	sdelay $0x1  }
0x120: {  	v11 =	vadd.s32 v4, v11;
	_ =	sdelay $0x4  }
0x121: {  	[hbm4b:s8+s9] =	stream.indirect_vreg.scatter [tilespmem:s0], [sflag:$0x1], $0x80, v11, vm0, $0xb8;
	[tilespmem:$0x8280] =	vst v63  }
0x122: {  	v9 =	vperm.xlane v9, v5  }
0x123: {  	[hbm4b:s17+s9] =	stream.indirect_vreg.scatter [tilespmem:s1], [sflag:$0x1], $0x80, v11, vm0, $0xb8;
	[tilespmem:$0x8280] =	vst v63  }
0x124: {  	v9 =	vadd.s32 v4, v9  }
0x125: {  	[hbm4b:s18+s9] =	stream.indirect_vreg.scatter [tilespmem:s3], [sflag:$0x1], $0x80, v11, vm0, $0xb8;
	[tilespmem:$0x8280] =	vst v63  }
0x126: {  	_ = 	snop  }
0x127: {  	[hbm4b:s19+s9] =	stream.indirect_vreg.scatter [tilespmem:s4], [sflag:$0x1], $0x80, v11, vm0, $0xb8;
	[tilespmem:$0x8280] =	vst v63  }
0x128: {  	_ = 	snop  }
0x129: {  	[hbm4b:s8+s9] =	stream.indirect_vreg.scatter [tilespmem:s5], [sflag:$0x1], $0x80, v9, vm0, $0xb8;
	[tilespmem:$0x8280] =	vst v63  }
0x12a: {  	s21 =	sadd.s32 $0x1, s21  }
0x12b: {  	[hbm4b:s17+s9] =	stream.indirect_vreg.scatter [tilespmem:s14], [sflag:$0x1], $0x80, v9, vm0, $0xb8;
	[tilespmem:$0x8280] =	vst v63  }
0x12c: {  	p0 =	sne.s32 s21, s22  }
0x12d: {  	[hbm4b:s18+s9] =	stream.indirect_vreg.scatter [tilespmem:s15], [sflag:$0x1], $0x80, v9, vm0, $0xb8;
	[tilespmem:$0x8280] =	vst v63  }
.Ltmp6:
0x12e: {  	_ = 	snop;
	(pc) =	sbr.rel @p0 .LBB2_4-.Ltmp6, $4  }
0x12f: {  	[hbm4b:s19+s9] =	stream.indirect_vreg.scatter [tilespmem:s16], [sflag:$0x1], $0x80, v9, vm0, $0xb8;
	[tilespmem:$0x8280] =	vst v63  }
0x130: {  	_ =	swait.ge [sflag:s20], $0x4000  }
0x131: {  	[sflag:s20] =	ssyncset.done $0x0  }
0x132: {  	[sflag:s20] =	ssyncadd.s32 $0xFFFFC000  }
.LBB2_9:
0x133: {  	v9 =	vxor.u32 $0x80000000, v10  }
0x134: {  	(xrf0) =	vmax.scan.msk.u32 $0xffff, v9;
	_ =	sdelay $0x5  }
0x135: {  	v9, _, _ =	vpop (xrf0)  }
0x136: {  	(v2sf) =	vpush v9, $0xF;
	_ =	sdelay $0xe  }
0x137: {  	s22 =	spop (v2sf)  }
0x138: {  	p0 =	slt.u32 s22, $0x80000001  }
0x139: {  	v9 =	vadd.s32 @!p0 $0x20F, v10;
	_ =	sdelay $0x2  }
0x13a: {  	v11 =	vlaneseq.u32 @!p0  }
0x13b: {  	s21 =	simm.s32 @!p0 $0x0;
	v11 =	vor.u32 @!p0 $0x210, v11  }
0x13c: {  	v10 =	vadd.s32 @!p0 v11, v10;
	v11 =	vld.idx.msk @!p0 [tilespmem:v9+s21+$0x0], $0xffff;
	_ =	sdelay $0x4  }
0x13d: {  	s23 =	simm.s32 @!p0 $0xA80;
	[tilespmem:v10+s21+$0x0] =	vst.idx.msk @!p0 $0xffff, v11  }
0x13e: {  	v11 =	vld.idx.msk @!p0 [tilespmem:v9+s23+$0x0], $0xffff;
	_ =	sdelay $0x2  }
0x13f: {  	s22 =	sadd.s32 @!p0 $0x8000000F, s22  }
0x140: {  	s22 =	sshra.s32 @!p0 s22, $0x4  }
0x141: {  	p1 =	slt.s32 @!p0 s22, $0x1;
	[tilespmem:v10+s23+$0x0] =	vst.idx.msk @!p0 $0xffff, v11;
	s23 =	simm.s32 @!p0 $0x1500  }
0x142: {  	p1 =	por p0, p1;
	v9 =	vld.idx.msk @!p0 [tilespmem:v9+s23+$0x0], $0xffff  }
.Ltmp7:
0x143: {  	_ = 	snop;
	(pc) =	sbr.rel @p1 .LBB2_15-.Ltmp7, $3  }
0x144: {  	_ =	sdelay $0x1  }
0x145: {  	s29 =	rddreg [dreg:$0x2]  }
0x146: {  	s30 =	rddreg [dreg:$0xf];
	[tilespmem:v10+s23+$0x0] =	vst.idx.msk @!p0 $0xffff, v9  }
.LBB2_10:
0x147: {  	s23 =	sshll.u32 s21, $0x4  }
0x148: {  	s23 =	sadd.s32 $0x210, s23  }
0x149: {  	v9 =	vor.u32 s23, v0;
	_ =	sdelay $0x3  }
0x14a: {  	s24 =	simm.s32 $0x0  }
0x14b: {  	v10 =	vld.idx.msk [tilespmem:v9+s24+$0x0], $0xffff;
	_ =	sdelay $0x4  }
0x14c: {  	v11 =	vshll.u32 v10, $0x3  }
0x14d: {  	v10 =	vand.u32 $0x7, v10;
	v11 =	vand.u32 $0xFFFFFFC0, v11  }
0x14e: {  	v10 =	vor.u32 v10, v11  }
0x14f: {  	v11 =	vperm.xlane v10, v3;
	_ =	sdelay $0x1  }
0x150: {  	v11 =	vadd.s32 v4, v11;
	_ =	sdelay $0x4  }
0x151: {  	[tilespmem:s0], [sflag:$0x1] =	stream.indirect_vreg.gather [hbm4b:s29+s24], $0x80, v11, vm0, $0xb8;
	[tilespmem:$0x8280] =	vst v63  }
0x152: {  	v10 =	vperm.xlane v10, v5  }
0x153: {  	[tilespmem:s1], [sflag:$0x1] =	stream.indirect_vreg.gather [hbm4b:s30+s24], $0x80, v11, vm0, $0xb8;
	[tilespmem:$0x8280] =	vst v63  }
0x154: {  	s26 =	rddreg [dreg:$0x10];
	v10 =	vadd.s32 v4, v10  }
0x155: {  	[tilespmem:s3], [sflag:$0x1] =	stream.indirect_vreg.gather [hbm4b:s26+s24], $0x80, v11, vm0, $0xb8;
	[tilespmem:$0x8280] =	vst v63  }
0x156: {  	s28 =	rddreg [dreg:$0x11]  }
0x157: {  	[tilespmem:s4], [sflag:$0x1] =	stream.indirect_vreg.gather [hbm4b:s28+s24], $0x80, v11, vm0, $0xb8;
	[tilespmem:$0x8280] =	vst v63  }
0x158: {  	_ = 	snop  }
0x159: {  	[tilespmem:s5], [sflag:$0x1] =	stream.indirect_vreg.gather [hbm4b:s29+s24], $0x80, v10, vm0, $0xb8;
	[tilespmem:$0x8280] =	vst v63  }
0x15a: {  	_ = 	snop  }
0x15b: {  	[tilespmem:s14], [sflag:$0x1] =	stream.indirect_vreg.gather [hbm4b:s30+s24], $0x80, v10, vm0, $0xb8;
	[tilespmem:$0x8280] =	vst v63  }
0x15c: {  	_ = 	snop  }
0x15d: {  	[tilespmem:s15], [sflag:$0x1] =	stream.indirect_vreg.gather [hbm4b:s26+s24], $0x80, v10, vm0, $0xb8;
	[tilespmem:$0x8280] =	vst v63  }
0x15e: {  	_ = 	snop  }
0x15f: {  	[tilespmem:s16], [sflag:$0x1] =	stream.indirect_vreg.gather [hbm4b:s28+s24], $0x80, v10, vm0, $0xb8;
	[tilespmem:$0x8280] =	vst v63  }
0x160: {  	_ =	swait.ge [sflag:s20], $0x4000  }
0x161: {  	[sflag:s20] =	ssyncset.done $0x0  }
0x162: {  	s26 =	simm.s32 $0x0;
	[sflag:s20] =	ssyncadd.s32 $0xFFFFC000  }
.LBB2_11:
0x163: {  	v10 =	vmov s26  }
0x164: {  	v12 =	vmov s24;
	v13 =	vor.u32 s24, v0;
	v11 =	vshll.u32 v10, $0xA  }
0x165: {  	v10 =	vshll.u32 v10, $0x7;
	v12 =	vshll.u32 v12, $0x3;
	v13 =	vand.u32 $0x7F, v13  }
0x166: {  	v11 =	vand.u32 $0x2000, v11;
	v10 =	vand.u32 $0x380, v10;
	v14 =	vand.u32 $0x1C00, v12  }
0x167: {  	v12 =	vor.u32 v11, v10;
	v10 =	vor.u32 v14, v13  }
0x168: {  	v11 =	vor.u32 v12, v14;
	v14 =	vor.u32 $0x80, v10  }
0x169: {  	v11 =	vor.u32 v13, v11  }
0x16a: {  	s28 =	sor.u32 s23, s26  }
0x16b: {  	v15 =	vmov s28;
	_ =	sdelay $0x1  }
0x16c: {  	v13 =	vld.idx.msk [tilespmem:v14+s12+$0x0], $0xffff  }
0x16d: {  	s28 =	simm.s32 $0x10;
	v14 =	vld.idx.msk [tilespmem:v11+s0+$0x0], $0xffff  }
0x16e: {  	v16 =	vmov s28  }
0x16f: {  	v16 =	vshll.u32 v16, $0x3;
	v10 =	vld.idx.msk [tilespmem:v15+s11+$0x0], $0xffff;
	v15 =	vor.u32 s28, v0;
	s28 =	simm.s32 $0x20  }
.LBB2_12:
0x170: {  	p0 =	sne.s32 s28, $0x3F0;
	v15 =	vand.u32 $0x7F, v15;
	v16 =	vand.u32 $0x1C00, v16  }
0x171: {  	v17 =	vor.u32 v16, v15  }
0x172: {  	v16 =	vor.u32 v12, v16;
	v13 =	vadd.f32 v13, v14;
	v17 =	vor.u32 $0x80, v17  }
0x173: {  	v14 =	vor.u32 v15, v16  }
0x174: {  	v13 =	vmul.f32 v13, v10;
	_ =	sdelay $0x1  }
0x175: {  	[tilespmem:v11+s0+$0x0] =	vst.idx.msk $0xffff, v13;
	v11 =	vmov v14  }
.Ltmp8:
0x176: {  	v13 =	vld.idx.msk [tilespmem:v17+s12+$0x0], $0xffff;
	(pc) =	sbr.rel @p0 .LBB2_12-.Ltmp8, $3  }
0x177: {  	v14 =	vld.idx.msk [tilespmem:v14+s0+$0x0], $0xffff;
	_ =	sdelay $0x1  }
0x178: {  	v16 =	vmov s28  }
0x179: {  	v15 =	vor.u32 s28, v0;
	s28 =	sadd.s32 $0x10, s28;
	v16 =	vshll.u32 v16, $0x3  }
0x17a: {  	v15 =	vand.u32 $0x7F, v15;
	v16 =	vand.u32 $0x1C00, v16  }
0x17b: {  	v17 =	vor.u32 v16, v15  }
0x17c: {  	v12 =	vor.u32 v12, v16;
	v13 =	vadd.f32 v13, v14;
	v63 =	vor.u32 $0x80, v17  }
0x17d: {  	v12 =	vor.u32 v15, v12  }
0x17e: {  	v13 =	vmul.f32 v13, v10;
	_ =	sdelay $0x1  }
0x17f: {  	[tilespmem:v11+s0+$0x0] =	vst.idx.msk $0xffff, v13  }
0x180: {  	v11 =	vld.idx.msk [tilespmem:v63+s12+$0x0], $0xffff  }
0x181: {  	v13 =	vld.idx.msk [tilespmem:v12+s0+$0x0], $0xffff;
	_ =	sdelay $0x2  }
0x182: {  	s26 =	sadd.s32 $0x1, s26  }
0x183: {  	p0 =	sne.s32 s26, $0x10  }
.Ltmp9:
0x184: {  	v11 =	vadd.f32 v11, v13;
	(pc) =	sbr.rel @p0 .LBB2_11-.Ltmp9, $3  }
0x185: {  	_ = 	snop  }
0x186: {  	v10 =	vmul.f32 v11, v10;
	_ =	sdelay $0x1  }
0x187: {  	[tilespmem:v12+s0+$0x0] =	vst.idx.msk $0xffff, v10  }
0x188: {  	_ =	sdelay $0x3  }
0x189: {  	v9 =	vld.idx.msk [tilespmem:v9+s25+$0x0], $0xffff;
	_ =	sdelay $0x4  }
0x18a: {  	v10 =	vshll.u32 v9, $0x3  }
0x18b: {  	v9 =	vand.u32 $0x7, v9;
	v10 =	vand.u32 $0xFFFFFFC0, v10  }
0x18c: {  	v9 =	vor.u32 v9, v10  }
0x18d: {  	v10 =	vperm.xlane v9, v3;
	_ =	sdelay $0x1  }
0x18e: {  	v10 =	vadd.s32 v4, v10;
	_ =	sdelay $0x4  }
0x18f: {  	[hbm4b:s8+s9] =	stream.indirect_vreg.scatter [tilespmem:s0], [sflag:$0x1], $0x80, v10, vm0, $0xb8;
	[tilespmem:$0x8280] =	vst v63  }
0x190: {  	v9 =	vperm.xlane v9, v5  }
0x191: {  	[hbm4b:s17+s9] =	stream.indirect_vreg.scatter [tilespmem:s1], [sflag:$0x1], $0x80, v10, vm0, $0xb8;
	[tilespmem:$0x8280] =	vst v63  }
0x192: {  	v9 =	vadd.s32 v4, v9  }
0x193: {  	[hbm4b:s18+s9] =	stream.indirect_vreg.scatter [tilespmem:s3], [sflag:$0x1], $0x80, v10, vm0, $0xb8;
	[tilespmem:$0x8280] =	vst v63  }
0x194: {  	_ = 	snop  }
0x195: {  	[hbm4b:s19+s9] =	stream.indirect_vreg.scatter [tilespmem:s4], [sflag:$0x1], $0x80, v10, vm0, $0xb8;
	[tilespmem:$0x8280] =	vst v63  }
0x196: {  	_ = 	snop  }
0x197: {  	[hbm4b:s8+s9] =	stream.indirect_vreg.scatter [tilespmem:s5], [sflag:$0x1], $0x80, v9, vm0, $0xb8;
	[tilespmem:$0x8280] =	vst v63  }
0x198: {  	s21 =	sadd.s32 $0x1, s21  }
0x199: {  	[hbm4b:s17+s9] =	stream.indirect_vreg.scatter [tilespmem:s14], [sflag:$0x1], $0x80, v9, vm0, $0xb8;
	[tilespmem:$0x8280] =	vst v63  }
0x19a: {  	p0 =	sne.s32 s21, s22  }
0x19b: {  	[hbm4b:s18+s9] =	stream.indirect_vreg.scatter [tilespmem:s15], [sflag:$0x1], $0x80, v9, vm0, $0xb8;
	[tilespmem:$0x8280] =	vst v63  }
.Ltmp10:
0x19c: {  	_ = 	snop;
	(pc) =	sbr.rel @p0 .LBB2_10-.Ltmp10, $4  }
0x19d: {  	[hbm4b:s19+s9] =	stream.indirect_vreg.scatter [tilespmem:s16], [sflag:$0x1], $0x80, v9, vm0, $0xb8;
	[tilespmem:$0x8280] =	vst v63  }
0x19e: {  	_ =	swait.ge [sflag:s20], $0x4000  }
0x19f: {  	[sflag:s20] =	ssyncset.done $0x0  }
0x1a0: {  	[sflag:s20] =	ssyncadd.s32 $0xFFFFC000  }
.LBB2_15:
0x1a1: {  	v9 =	vxor.u32 $0x80000000, v8  }
0x1a2: {  	(xrf0) =	vmax.scan.msk.u32 $0xffff, v9;
	_ =	sdelay $0x5  }
0x1a3: {  	v9, _, _ =	vpop (xrf0)  }
0x1a4: {  	(v2sf) =	vpush v9, $0xF;
	_ =	sdelay $0xe  }
0x1a5: {  	s22 =	spop (v2sf)  }
0x1a6: {  	p0 =	slt.u32 s22, $0x80000001  }
0x1a7: {  	v9 =	vadd.s32 @!p0 $0x41F, v8;
	_ =	sdelay $0x2  }
0x1a8: {  	v10 =	vlaneseq.u32 @!p0  }
0x1a9: {  	s21 =	simm.s32 @!p0 $0x0;
	v10 =	vor.u32 @!p0 $0x420, v10  }
0x1aa: {  	v8 =	vadd.s32 @!p0 v10, v8;
	v10 =	vld.idx.msk @!p0 [tilespmem:v9+s21+$0x0], $0xffff;
	_ =	sdelay $0x4  }
0x1ab: {  	s23 =	simm.s32 @!p0 $0xA80;
	[tilespmem:v8+s21+$0x0] =	vst.idx.msk @!p0 $0xffff, v10  }
0x1ac: {  	v10 =	vld.idx.msk @!p0 [tilespmem:v9+s23+$0x0], $0xffff;
	_ =	sdelay $0x2  }
0x1ad: {  	s22 =	sadd.s32 @!p0 $0x8000000F, s22  }
0x1ae: {  	s22 =	sshra.s32 @!p0 s22, $0x4  }
0x1af: {  	p1 =	slt.s32 @!p0 s22, $0x1;
	[tilespmem:v8+s23+$0x0] =	vst.idx.msk @!p0 $0xffff, v10;
	s23 =	simm.s32 @!p0 $0x1500  }
0x1b0: {  	p1 =	por p0, p1;
	v9 =	vld.idx.msk @!p0 [tilespmem:v9+s23+$0x0], $0xffff  }
.Ltmp11:
0x1b1: {  	_ = 	snop;
	(pc) =	sbr.rel @p1 .LBB2_21-.Ltmp11, $2  }
0x1b2: {  	_ =	sdelay $0x2  }
0x1b3: {  	s29 =	rddreg [dreg:$0x3];
	[tilespmem:v8+s23+$0x0] =	vst.idx.msk @!p0 $0xffff, v9  }
.LBB2_16:
0x1b4: {  	s23 =	sshll.u32 s21, $0x4  }
0x1b5: {  	s23 =	sadd.s32 $0x420, s23  }
0x1b6: {  	v8 =	vor.u32 s23, v0;
	_ =	sdelay $0x3  }
0x1b7: {  	s24 =	simm.s32 $0x0  }
0x1b8: {  	v9 =	vld.idx.msk [tilespmem:v8+s24+$0x0], $0xffff;
	_ =	sdelay $0x4  }
0x1b9: {  	v10 =	vshll.u32 v9, $0x3  }
0x1ba: {  	v9 =	vand.u32 $0x7, v9;
	v10 =	vand.u32 $0xFFFFFFC0, v10  }
0x1bb: {  	v9 =	vor.u32 v9, v10  }
0x1bc: {  	v10 =	vperm.xlane v9, v3;
	_ =	sdelay $0x1  }
0x1bd: {  	v10 =	vadd.s32 v4, v10;
	_ =	sdelay $0x4  }
0x1be: {  	[tilespmem:s0], [sflag:$0x1] =	stream.indirect_vreg.gather [hbm4b:s29+s24], $0x80, v10, vm0, $0xb8;
	[tilespmem:$0x8280] =	vst v63  }
0x1bf: {  	s26 =	rddreg [dreg:$0x12];
	v9 =	vperm.xlane v9, v5  }
0x1c0: {  	[tilespmem:s1], [sflag:$0x1] =	stream.indirect_vreg.gather [hbm4b:s26+s24], $0x80, v10, vm0, $0xb8;
	[tilespmem:$0x8280] =	vst v63  }
0x1c1: {  	s28 =	rddreg [dreg:$0x13];
	v9 =	vadd.s32 v4, v9  }
0x1c2: {  	[tilespmem:s3], [sflag:$0x1] =	stream.indirect_vreg.gather [hbm4b:s28+s24], $0x80, v10, vm0, $0xb8;
	[tilespmem:$0x8280] =	vst v63  }
0x1c3: {  	s31 =	rddreg [dreg:$0x15]  }
0x1c4: {  	[tilespmem:s4], [sflag:$0x1] =	stream.indirect_vreg.gather [hbm4b:s31+s24], $0x80, v10, vm0, $0xb8;
	[tilespmem:$0x8280] =	vst v63  }
0x1c5: {  	_ = 	snop  }
0x1c6: {  	[tilespmem:s5], [sflag:$0x1] =	stream.indirect_vreg.gather [hbm4b:s29+s24], $0x80, v9, vm0, $0xb8;
	[tilespmem:$0x8280] =	vst v63  }
0x1c7: {  	_ = 	snop  }
0x1c8: {  	[tilespmem:s14], [sflag:$0x1] =	stream.indirect_vreg.gather [hbm4b:s26+s24], $0x80, v9, vm0, $0xb8;
	[tilespmem:$0x8280] =	vst v63  }
0x1c9: {  	_ = 	snop  }
0x1ca: {  	[tilespmem:s15], [sflag:$0x1] =	stream.indirect_vreg.gather [hbm4b:s28+s24], $0x80, v9, vm0, $0xb8;
	[tilespmem:$0x8280] =	vst v63  }
0x1cb: {  	_ = 	snop  }
0x1cc: {  	[tilespmem:s16], [sflag:$0x1] =	stream.indirect_vreg.gather [hbm4b:s31+s24], $0x80, v9, vm0, $0xb8;
	[tilespmem:$0x8280] =	vst v63  }
0x1cd: {  	_ =	swait.ge [sflag:s20], $0x4000  }
0x1ce: {  	[sflag:s20] =	ssyncset.done $0x0  }
0x1cf: {  	s26 =	simm.s32 $0x0;
	[sflag:s20] =	ssyncadd.s32 $0xFFFFC000  }
.LBB2_17:
0x1d0: {  	v9 =	vmov s26  }
0x1d1: {  	v11 =	vmov s24;
	v12 =	vor.u32 s24, v0;
	v10 =	vshll.u32 v9, $0xA  }
0x1d2: {  	v9 =	vshll.u32 v9, $0x7;
	v11 =	vshll.u32 v11, $0x3;
	v12 =	vand.u32 $0x7F, v12  }
0x1d3: {  	v10 =	vand.u32 $0x2000, v10;
	v9 =	vand.u32 $0x380, v9;
	v13 =	vand.u32 $0x1C00, v11  }
0x1d4: {  	v11 =	vor.u32 v10, v9;
	v9 =	vor.u32 v13, v12  }
0x1d5: {  	v10 =	vor.u32 v11, v13;
	v13 =	vor.u32 $0x100, v9  }
0x1d6: {  	v10 =	vor.u32 v12, v10  }
0x1d7: {  	s28 =	sor.u32 s23, s26  }
0x1d8: {  	v14 =	vmov s28;
	_ =	sdelay $0x1  }
0x1d9: {  	v12 =	vld.idx.msk [tilespmem:v13+s12+$0x0], $0xffff  }
0x1da: {  	s28 =	simm.s32 $0x10;
	v13 =	vld.idx.msk [tilespmem:v10+s0+$0x0], $0xffff  }
0x1db: {  	v15 =	vmov s28  }
0x1dc: {  	v15 =	vshll.u32 v15, $0x3;
	v9 =	vld.idx.msk [tilespmem:v14+s11+$0x0], $0xffff;
	v14 =	vor.u32 s28, v0;
	s28 =	simm.s32 $0x20  }
.LBB2_18:
0x1dd: {  	p0 =	sne.s32 s28, $0x3F0;
	v14 =	vand.u32 $0x7F, v14;
	v15 =	vand.u32 $0x1C00, v15  }
0x1de: {  	v16 =	vor.u32 v15, v14  }
0x1df: {  	v15 =	vor.u32 v11, v15;
	v12 =	vadd.f32 v12, v13;
	v16 =	vor.u32 $0x100, v16  }
0x1e0: {  	v13 =	vor.u32 v14, v15  }
0x1e1: {  	v12 =	vmul.f32 v12, v9;
	_ =	sdelay $0x1  }
0x1e2: {  	[tilespmem:v10+s0+$0x0] =	vst.idx.msk $0xffff, v12;
	v10 =	vmov v13  }
.Ltmp12:
0x1e3: {  	v12 =	vld.idx.msk [tilespmem:v16+s12+$0x0], $0xffff;
	(pc) =	sbr.rel @p0 .LBB2_18-.Ltmp12, $3  }
0x1e4: {  	v13 =	vld.idx.msk [tilespmem:v13+s0+$0x0], $0xffff;
	_ =	sdelay $0x1  }
0x1e5: {  	v15 =	vmov s28  }
0x1e6: {  	v14 =	vor.u32 s28, v0;
	s28 =	sadd.s32 $0x10, s28;
	v15 =	vshll.u32 v15, $0x3  }
0x1e7: {  	v14 =	vand.u32 $0x7F, v14;
	v15 =	vand.u32 $0x1C00, v15  }
0x1e8: {  	v16 =	vor.u32 v15, v14  }
0x1e9: {  	v11 =	vor.u32 v11, v15;
	v12 =	vadd.f32 v12, v13;
	v63 =	vor.u32 $0x100, v16  }
0x1ea: {  	v11 =	vor.u32 v14, v11  }
0x1eb: {  	v12 =	vmul.f32 v12, v9;
	_ =	sdelay $0x1  }
0x1ec: {  	[tilespmem:v10+s0+$0x0] =	vst.idx.msk $0xffff, v12  }
0x1ed: {  	v10 =	vld.idx.msk [tilespmem:v63+s12+$0x0], $0xffff  }
0x1ee: {  	v12 =	vld.idx.msk [tilespmem:v11+s0+$0x0], $0xffff;
	_ =	sdelay $0x2  }
0x1ef: {  	s26 =	sadd.s32 $0x1, s26  }
0x1f0: {  	p0 =	sne.s32 s26, $0x10  }
.Ltmp13:
0x1f1: {  	v10 =	vadd.f32 v10, v12;
	(pc) =	sbr.rel @p0 .LBB2_17-.Ltmp13, $3  }
0x1f2: {  	_ = 	snop  }
0x1f3: {  	v9 =	vmul.f32 v10, v9;
	_ =	sdelay $0x1  }
0x1f4: {  	[tilespmem:v11+s0+$0x0] =	vst.idx.msk $0xffff, v9  }
0x1f5: {  	_ =	sdelay $0x3  }
0x1f6: {  	v8 =	vld.idx.msk [tilespmem:v8+s25+$0x0], $0xffff;
	_ =	sdelay $0x4  }
0x1f7: {  	v9 =	vshll.u32 v8, $0x3  }
0x1f8: {  	v8 =	vand.u32 $0x7, v8;
	v9 =	vand.u32 $0xFFFFFFC0, v9  }
0x1f9: {  	v8 =	vor.u32 v8, v9  }
0x1fa: {  	v9 =	vperm.xlane v8, v3;
	_ =	sdelay $0x1  }
0x1fb: {  	v9 =	vadd.s32 v4, v9;
	_ =	sdelay $0x4  }
0x1fc: {  	[hbm4b:s8+s9] =	stream.indirect_vreg.scatter [tilespmem:s0], [sflag:$0x1], $0x80, v9, vm0, $0xb8;
	[tilespmem:$0x8280] =	vst v63  }
0x1fd: {  	v8 =	vperm.xlane v8, v5  }
0x1fe: {  	[hbm4b:s17+s9] =	stream.indirect_vreg.scatter [tilespmem:s1], [sflag:$0x1], $0x80, v9, vm0, $0xb8;
	[tilespmem:$0x8280] =	vst v63  }
0x1ff: {  	v8 =	vadd.s32 v4, v8  }
0x200: {  	[hbm4b:s18+s9] =	stream.indirect_vreg.scatter [tilespmem:s3], [sflag:$0x1], $0x80, v9, vm0, $0xb8;
	[tilespmem:$0x8280] =	vst v63  }
0x201: {  	_ = 	snop  }
0x202: {  	[hbm4b:s19+s9] =	stream.indirect_vreg.scatter [tilespmem:s4], [sflag:$0x1], $0x80, v9, vm0, $0xb8;
	[tilespmem:$0x8280] =	vst v63  }
0x203: {  	_ = 	snop  }
0x204: {  	[hbm4b:s8+s9] =	stream.indirect_vreg.scatter [tilespmem:s5], [sflag:$0x1], $0x80, v8, vm0, $0xb8;
	[tilespmem:$0x8280] =	vst v63  }
0x205: {  	s21 =	sadd.s32 $0x1, s21  }
0x206: {  	[hbm4b:s17+s9] =	stream.indirect_vreg.scatter [tilespmem:s14], [sflag:$0x1], $0x80, v8, vm0, $0xb8;
	[tilespmem:$0x8280] =	vst v63  }
0x207: {  	p0 =	sne.s32 s21, s22  }
0x208: {  	[hbm4b:s18+s9] =	stream.indirect_vreg.scatter [tilespmem:s15], [sflag:$0x1], $0x80, v8, vm0, $0xb8;
	[tilespmem:$0x8280] =	vst v63  }
.Ltmp14:
0x209: {  	_ = 	snop;
	(pc) =	sbr.rel @p0 .LBB2_16-.Ltmp14, $4  }
0x20a: {  	[hbm4b:s19+s9] =	stream.indirect_vreg.scatter [tilespmem:s16], [sflag:$0x1], $0x80, v8, vm0, $0xb8;
	[tilespmem:$0x8280] =	vst v63  }
0x20b: {  	_ =	swait.ge [sflag:s20], $0x4000  }
0x20c: {  	[sflag:s20] =	ssyncset.done $0x0  }
0x20d: {  	[sflag:s20] =	ssyncadd.s32 $0xFFFFC000  }
.LBB2_21:
0x20e: {  	v8 =	vxor.u32 $0x80000000, v7  }
0x20f: {  	(xrf0) =	vmax.scan.msk.u32 $0xffff, v8;
	_ =	sdelay $0x5  }
0x210: {  	v8, _, _ =	vpop (xrf0)  }
0x211: {  	(v2sf) =	vpush v8, $0xF;
	_ =	sdelay $0xe  }
0x212: {  	s22 =	spop (v2sf)  }
0x213: {  	p0 =	slt.u32 s22, $0x80000001  }
0x214: {  	v8 =	vadd.s32 @!p0 $0x62F, v7;
	_ =	sdelay $0x2  }
0x215: {  	v9 =	vlaneseq.u32 @!p0  }
0x216: {  	s21 =	simm.s32 @!p0 $0x0;
	v9 =	vor.u32 @!p0 $0x630, v9  }
0x217: {  	v7 =	vadd.s32 @!p0 v9, v7;
	v9 =	vld.idx.msk @!p0 [tilespmem:v8+s21+$0x0], $0xffff;
	_ =	sdelay $0x4  }
0x218: {  	s23 =	simm.s32 @!p0 $0xA80;
	[tilespmem:v7+s21+$0x0] =	vst.idx.msk @!p0 $0xffff, v9  }
0x219: {  	v9 =	vld.idx.msk @!p0 [tilespmem:v8+s23+$0x0], $0xffff;
	_ =	sdelay $0x2  }
0x21a: {  	s22 =	sadd.s32 @!p0 $0x8000000F, s22  }
0x21b: {  	s22 =	sshra.s32 @!p0 s22, $0x4  }
0x21c: {  	p1 =	slt.s32 @!p0 s22, $0x1;
	[tilespmem:v7+s23+$0x0] =	vst.idx.msk @!p0 $0xffff, v9;
	s23 =	simm.s32 @!p0 $0x1500  }
0x21d: {  	p1 =	por p0, p1;
	v8 =	vld.idx.msk @!p0 [tilespmem:v8+s23+$0x0], $0xffff  }
.Ltmp15:
0x21e: {  	_ = 	snop;
	(pc) =	sbr.rel @p1 .LBB2_27-.Ltmp15, $3  }
0x21f: {  	_ =	sdelay $0x1  }
0x220: {  	s29 =	rddreg [dreg:$0x4]  }
0x221: {  	s31 =	rddreg [dreg:$0x16];
	[tilespmem:v7+s23+$0x0] =	vst.idx.msk @!p0 $0xffff, v8  }
.LBB2_22:
0x222: {  	s23 =	sshll.u32 s21, $0x4  }
0x223: {  	s23 =	sadd.s32 $0x630, s23  }
0x224: {  	v7 =	vor.u32 s23, v0;
	_ =	sdelay $0x3  }
0x225: {  	s24 =	simm.s32 $0x0  }
0x226: {  	v8 =	vld.idx.msk [tilespmem:v7+s24+$0x0], $0xffff;
	_ =	sdelay $0x4  }
0x227: {  	v9 =	vshll.u32 v8, $0x3  }
0x228: {  	v8 =	vand.u32 $0x7, v8;
	v9 =	vand.u32 $0xFFFFFFC0, v9  }
0x229: {  	v8 =	vor.u32 v8, v9  }
0x22a: {  	v9 =	vperm.xlane v8, v3;
	_ =	sdelay $0x1  }
0x22b: {  	v9 =	vadd.s32 v4, v9;
	_ =	sdelay $0x4  }
0x22c: {  	[tilespmem:s0], [sflag:$0x1] =	stream.indirect_vreg.gather [hbm4b:s29+s24], $0x80, v9, vm0, $0xb8;
	[tilespmem:$0x8280] =	vst v63  }
0x22d: {  	v8 =	vperm.xlane v8, v5  }
0x22e: {  	[tilespmem:s1], [sflag:$0x1] =	stream.indirect_vreg.gather [hbm4b:s31+s24], $0x80, v9, vm0, $0xb8;
	[tilespmem:$0x8280] =	vst v63  }
0x22f: {  	s26 =	rddreg [dreg:$0x17];
	v8 =	vadd.s32 v4, v8  }
0x230: {  	[tilespmem:s3], [sflag:$0x1] =	stream.indirect_vreg.gather [hbm4b:s26+s24], $0x80, v9, vm0, $0xb8;
	[tilespmem:$0x8280] =	vst v63  }
0x231: {  	s28 =	rddreg [dreg:$0x18]  }
0x232: {  	[tilespmem:s4], [sflag:$0x1] =	stream.indirect_vreg.gather [hbm4b:s28+s24], $0x80, v9, vm0, $0xb8;
	[tilespmem:$0x8280] =	vst v63  }
0x233: {  	_ = 	snop  }
0x234: {  	[tilespmem:s5], [sflag:$0x1] =	stream.indirect_vreg.gather [hbm4b:s29+s24], $0x80, v8, vm0, $0xb8;
	[tilespmem:$0x8280] =	vst v63  }
0x235: {  	_ = 	snop  }
0x236: {  	[tilespmem:s14], [sflag:$0x1] =	stream.indirect_vreg.gather [hbm4b:s31+s24], $0x80, v8, vm0, $0xb8;
	[tilespmem:$0x8280] =	vst v63  }
0x237: {  	_ = 	snop  }
0x238: {  	[tilespmem:s15], [sflag:$0x1] =	stream.indirect_vreg.gather [hbm4b:s26+s24], $0x80, v8, vm0, $0xb8;
	[tilespmem:$0x8280] =	vst v63  }
0x239: {  	_ = 	snop  }
0x23a: {  	[tilespmem:s16], [sflag:$0x1] =	stream.indirect_vreg.gather [hbm4b:s28+s24], $0x80, v8, vm0, $0xb8;
	[tilespmem:$0x8280] =	vst v63  }
0x23b: {  	_ =	swait.ge [sflag:s20], $0x4000  }
0x23c: {  	[sflag:s20] =	ssyncset.done $0x0  }
0x23d: {  	s26 =	simm.s32 $0x0;
	[sflag:s20] =	ssyncadd.s32 $0xFFFFC000  }
.LBB2_23:
0x23e: {  	v8 =	vmov s26  }
0x23f: {  	v10 =	vmov s24;
	v11 =	vor.u32 s24, v0;
	v9 =	vshll.u32 v8, $0xA  }
0x240: {  	v8 =	vshll.u32 v8, $0x7;
	v10 =	vshll.u32 v10, $0x3;
	v11 =	vand.u32 $0x7F, v11  }
0x241: {  	v9 =	vand.u32 $0x2000, v9;
	v8 =	vand.u32 $0x380, v8;
	v12 =	vand.u32 $0x1C00, v10  }
0x242: {  	v10 =	vor.u32 v9, v8;
	v8 =	vor.u32 v12, v11  }
0x243: {  	v9 =	vor.u32 v10, v12;
	v12 =	vor.u32 $0x180, v8  }
0x244: {  	v9 =	vor.u32 v11, v9  }
0x245: {  	s28 =	sor.u32 s23, s26  }
0x246: {  	v13 =	vmov s28;
	_ =	sdelay $0x1  }
0x247: {  	v11 =	vld.idx.msk [tilespmem:v12+s12+$0x0], $0xffff  }
0x248: {  	s28 =	simm.s32 $0x10;
	v12 =	vld.idx.msk [tilespmem:v9+s0+$0x0], $0xffff  }
0x249: {  	v14 =	vmov s28  }
0x24a: {  	v14 =	vshll.u32 v14, $0x3;
	v8 =	vld.idx.msk [tilespmem:v13+s11+$0x0], $0xffff;
	v13 =	vor.u32 s28, v0;
	s28 =	simm.s32 $0x20  }
.LBB2_24:
0x24b: {  	p0 =	sne.s32 s28, $0x3F0;
	v13 =	vand.u32 $0x7F, v13;
	v14 =	vand.u32 $0x1C00, v14  }
0x24c: {  	v15 =	vor.u32 v14, v13  }
0x24d: {  	v14 =	vor.u32 v10, v14;
	v11 =	vadd.f32 v11, v12;
	v15 =	vor.u32 $0x180, v15  }
0x24e: {  	v12 =	vor.u32 v13, v14  }
0x24f: {  	v11 =	vmul.f32 v11, v8;
	_ =	sdelay $0x1  }
0x250: {  	[tilespmem:v9+s0+$0x0] =	vst.idx.msk $0xffff, v11;
	v9 =	vmov v12  }
.Ltmp16:
0x251: {  	v11 =	vld.idx.msk [tilespmem:v15+s12+$0x0], $0xffff;
	(pc) =	sbr.rel @p0 .LBB2_24-.Ltmp16, $3  }
0x252: {  	v12 =	vld.idx.msk [tilespmem:v12+s0+$0x0], $0xffff;
	_ =	sdelay $0x1  }
0x253: {  	v14 =	vmov s28  }
0x254: {  	v13 =	vor.u32 s28, v0;
	s28 =	sadd.s32 $0x10, s28;
	v14 =	vshll.u32 v14, $0x3  }
0x255: {  	v13 =	vand.u32 $0x7F, v13;
	v14 =	vand.u32 $0x1C00, v14  }
0x256: {  	v15 =	vor.u32 v14, v13  }
0x257: {  	v10 =	vor.u32 v10, v14;
	v11 =	vadd.f32 v11, v12;
	v63 =	vor.u32 $0x180, v15  }
0x258: {  	v10 =	vor.u32 v13, v10  }
0x259: {  	v11 =	vmul.f32 v11, v8;
	_ =	sdelay $0x1  }
0x25a: {  	[tilespmem:v9+s0+$0x0] =	vst.idx.msk $0xffff, v11  }
0x25b: {  	v9 =	vld.idx.msk [tilespmem:v63+s12+$0x0], $0xffff  }
0x25c: {  	v11 =	vld.idx.msk [tilespmem:v10+s0+$0x0], $0xffff;
	_ =	sdelay $0x2  }
0x25d: {  	s26 =	sadd.s32 $0x1, s26  }
0x25e: {  	p0 =	sne.s32 s26, $0x10  }
.Ltmp17:
0x25f: {  	v9 =	vadd.f32 v9, v11;
	(pc) =	sbr.rel @p0 .LBB2_23-.Ltmp17, $3  }
0x260: {  	_ = 	snop  }
0x261: {  	v8 =	vmul.f32 v9, v8;
	_ =	sdelay $0x1  }
0x262: {  	[tilespmem:v10+s0+$0x0] =	vst.idx.msk $0xffff, v8  }
0x263: {  	_ =	sdelay $0x3  }
0x264: {  	v7 =	vld.idx.msk [tilespmem:v7+s25+$0x0], $0xffff;
	_ =	sdelay $0x4  }
0x265: {  	v8 =	vshll.u32 v7, $0x3  }
0x266: {  	v7 =	vand.u32 $0x7, v7;
	v8 =	vand.u32 $0xFFFFFFC0, v8  }
0x267: {  	v7 =	vor.u32 v7, v8  }
0x268: {  	v8 =	vperm.xlane v7, v3;
	_ =	sdelay $0x1  }
0x269: {  	v8 =	vadd.s32 v4, v8;
	_ =	sdelay $0x4  }
0x26a: {  	[hbm4b:s8+s9] =	stream.indirect_vreg.scatter [tilespmem:s0], [sflag:$0x1], $0x80, v8, vm0, $0xb8;
	[tilespmem:$0x8280] =	vst v63  }
0x26b: {  	v7 =	vperm.xlane v7, v5  }
0x26c: {  	[hbm4b:s17+s9] =	stream.indirect_vreg.scatter [tilespmem:s1], [sflag:$0x1], $0x80, v8, vm0, $0xb8;
	[tilespmem:$0x8280] =	vst v63  }
0x26d: {  	v7 =	vadd.s32 v4, v7  }
0x26e: {  	[hbm4b:s18+s9] =	stream.indirect_vreg.scatter [tilespmem:s3], [sflag:$0x1], $0x80, v8, vm0, $0xb8;
	[tilespmem:$0x8280] =	vst v63  }
0x26f: {  	_ = 	snop  }
0x270: {  	[hbm4b:s19+s9] =	stream.indirect_vreg.scatter [tilespmem:s4], [sflag:$0x1], $0x80, v8, vm0, $0xb8;
	[tilespmem:$0x8280] =	vst v63  }
0x271: {  	_ = 	snop  }
0x272: {  	[hbm4b:s8+s9] =	stream.indirect_vreg.scatter [tilespmem:s5], [sflag:$0x1], $0x80, v7, vm0, $0xb8;
	[tilespmem:$0x8280] =	vst v63  }
0x273: {  	s21 =	sadd.s32 $0x1, s21  }
0x274: {  	[hbm4b:s17+s9] =	stream.indirect_vreg.scatter [tilespmem:s14], [sflag:$0x1], $0x80, v7, vm0, $0xb8;
	[tilespmem:$0x8280] =	vst v63  }
0x275: {  	p0 =	sne.s32 s21, s22  }
0x276: {  	[hbm4b:s18+s9] =	stream.indirect_vreg.scatter [tilespmem:s15], [sflag:$0x1], $0x80, v7, vm0, $0xb8;
	[tilespmem:$0x8280] =	vst v63  }
.Ltmp18:
0x277: {  	_ = 	snop;
	(pc) =	sbr.rel @p0 .LBB2_22-.Ltmp18, $4  }
0x278: {  	[hbm4b:s19+s9] =	stream.indirect_vreg.scatter [tilespmem:s16], [sflag:$0x1], $0x80, v7, vm0, $0xb8;
	[tilespmem:$0x8280] =	vst v63  }
0x279: {  	_ =	swait.ge [sflag:s20], $0x4000  }
0x27a: {  	[sflag:s20] =	ssyncset.done $0x0  }
0x27b: {  	[sflag:s20] =	ssyncadd.s32 $0xFFFFC000  }
.LBB2_27:
0x27c: {  	v7 =	vxor.u32 $0x80000000, v6  }
0x27d: {  	(xrf0) =	vmax.scan.msk.u32 $0xffff, v7;
	_ =	sdelay $0x5  }
0x27e: {  	v7, _, _ =	vpop (xrf0)  }
0x27f: {  	(v2sf) =	vpush v7, $0xF;
	_ =	sdelay $0xe  }
0x280: {  	s22 =	spop (v2sf)  }
0x281: {  	p0 =	slt.u32 s22, $0x80000001  }
0x282: {  	v7 =	vadd.s32 @!p0 $0x83F, v6;
	_ =	sdelay $0x2  }
0x283: {  	v8 =	vlaneseq.u32 @!p0  }
0x284: {  	s21 =	simm.s32 @!p0 $0x0;
	v8 =	vor.u32 @!p0 $0x840, v8  }
0x285: {  	v6 =	vadd.s32 @!p0 v8, v6;
	v8 =	vld.idx.msk @!p0 [tilespmem:v7+s21+$0x0], $0xffff;
	_ =	sdelay $0x4  }
0x286: {  	s23 =	simm.s32 @!p0 $0xA80;
	[tilespmem:v6+s21+$0x0] =	vst.idx.msk @!p0 $0xffff, v8  }
0x287: {  	v8 =	vld.idx.msk @!p0 [tilespmem:v7+s23+$0x0], $0xffff;
	_ =	sdelay $0x2  }
0x288: {  	s22 =	sadd.s32 @!p0 $0x8000000F, s22  }
0x289: {  	s22 =	sshra.s32 @!p0 s22, $0x4  }
0x28a: {  	p1 =	slt.s32 @!p0 s22, $0x1;
	[tilespmem:v6+s23+$0x0] =	vst.idx.msk @!p0 $0xffff, v8;
	s23 =	simm.s32 @!p0 $0x1500  }
0x28b: {  	p1 =	por p0, p1;
	v7 =	vld.idx.msk @!p0 [tilespmem:v7+s23+$0x0], $0xffff  }
.Ltmp19:
0x28c: {  	_ = 	snop;
	(pc) =	sbr.rel @p1 .LBB2_33-.Ltmp19, $2  }
0x28d: {  	_ =	sdelay $0x2  }
0x28e: {  	s29 =	rddreg [dreg:$0x5];
	[tilespmem:v6+s23+$0x0] =	vst.idx.msk @!p0 $0xffff, v7  }
.LBB2_28:
0x28f: {  	s23 =	sshll.u32 s21, $0x4  }
0x290: {  	s23 =	sadd.s32 $0x840, s23  }
0x291: {  	v6 =	vor.u32 s23, v0;
	_ =	sdelay $0x3  }
0x292: {  	s24 =	simm.s32 $0x0  }
0x293: {  	v7 =	vld.idx.msk [tilespmem:v6+s24+$0x0], $0xffff;
	_ =	sdelay $0x4  }
0x294: {  	v8 =	vshll.u32 v7, $0x3  }
0x295: {  	v7 =	vand.u32 $0x7, v7;
	v8 =	vand.u32 $0xFFFFFFC0, v8  }
0x296: {  	v7 =	vor.u32 v7, v8  }
0x297: {  	v8 =	vperm.xlane v7, v3;
	_ =	sdelay $0x1  }
0x298: {  	v8 =	vadd.s32 v4, v8;
	_ =	sdelay $0x4  }
0x299: {  	[tilespmem:s0], [sflag:$0x1] =	stream.indirect_vreg.gather [hbm4b:s29+s24], $0x80, v8, vm0, $0xb8;
	[tilespmem:$0x8280] =	vst v63  }
0x29a: {  	s26 =	rddreg [dreg:$0x19];
	v7 =	vperm.xlane v7, v5  }
0x29b: {  	[tilespmem:s1], [sflag:$0x1] =	stream.indirect_vreg.gather [hbm4b:s26+s24], $0x80, v8, vm0, $0xb8;
	[tilespmem:$0x8280] =	vst v63  }
0x29c: {  	v7 =	vadd.s32 v4, v7  }
0x29d: {  	[tilespmem:s3], [sflag:$0x1] =	stream.indirect_vreg.gather [hbm4b:s2+s24], $0x80, v8, vm0, $0xb8;
	[tilespmem:$0x8280] =	vst v63  }
0x29e: {  	_ = 	snop  }
0x29f: {  	[tilespmem:s4], [sflag:$0x1] =	stream.indirect_vreg.gather [hbm4b:s6+s24], $0x80, v8, vm0, $0xb8;
	[tilespmem:$0x8280] =	vst v63  }
0x2a0: {  	_ = 	snop  }
0x2a1: {  	[tilespmem:s5], [sflag:$0x1] =	stream.indirect_vreg.gather [hbm4b:s29+s24], $0x80, v7, vm0, $0xb8;
	[tilespmem:$0x8280] =	vst v63  }
0x2a2: {  	_ = 	snop  }
0x2a3: {  	[tilespmem:s14], [sflag:$0x1] =	stream.indirect_vreg.gather [hbm4b:s26+s24], $0x80, v7, vm0, $0xb8;
	[tilespmem:$0x8280] =	vst v63  }
0x2a4: {  	_ = 	snop  }
0x2a5: {  	[tilespmem:s15], [sflag:$0x1] =	stream.indirect_vreg.gather [hbm4b:s2+s24], $0x80, v7, vm0, $0xb8;
	[tilespmem:$0x8280] =	vst v63  }
0x2a6: {  	_ = 	snop  }
0x2a7: {  	[tilespmem:s16], [sflag:$0x1] =	stream.indirect_vreg.gather [hbm4b:s6+s24], $0x80, v7, vm0, $0xb8;
	[tilespmem:$0x8280] =	vst v63  }
0x2a8: {  	_ =	swait.ge [sflag:s20], $0x4000  }
0x2a9: {  	[sflag:s20] =	ssyncset.done $0x0  }
0x2aa: {  	s26 =	simm.s32 $0x0;
	[sflag:s20] =	ssyncadd.s32 $0xFFFFC000  }
.LBB2_29:
0x2ab: {  	v7 =	vmov s26  }
0x2ac: {  	v9 =	vmov s24;
	v10 =	vor.u32 s24, v0;
	v8 =	vshll.u32 v7, $0xA  }
0x2ad: {  	v7 =	vshll.u32 v7, $0x7;
	v9 =	vshll.u32 v9, $0x3;
	v10 =	vand.u32 $0x7F, v10  }
0x2ae: {  	v8 =	vand.u32 $0x2000, v8;
	v7 =	vand.u32 $0x380, v7;
	v11 =	vand.u32 $0x1C00, v9  }
0x2af: {  	v9 =	vor.u32 v8, v7;
	v7 =	vor.u32 v11, v10  }
0x2b0: {  	v8 =	vor.u32 v9, v11;
	v11 =	vor.u32 $0x200, v7  }
0x2b1: {  	v8 =	vor.u32 v10, v8  }
0x2b2: {  	s28 =	sor.u32 s23, s26  }
0x2b3: {  	v12 =	vmov s28;
	_ =	sdelay $0x1  }
0x2b4: {  	v10 =	vld.idx.msk [tilespmem:v11+s12+$0x0], $0xffff  }
0x2b5: {  	s28 =	simm.s32 $0x10;
	v11 =	vld.idx.msk [tilespmem:v8+s0+$0x0], $0xffff  }
0x2b6: {  	v13 =	vmov s28  }
0x2b7: {  	v13 =	vshll.u32 v13, $0x3;
	v7 =	vld.idx.msk [tilespmem:v12+s11+$0x0], $0xffff;
	v12 =	vor.u32 s28, v0;
	s28 =	simm.s32 $0x20  }
.LBB2_30:
0x2b8: {  	p0 =	sne.s32 s28, $0x3F0;
	v12 =	vand.u32 $0x7F, v12;
	v13 =	vand.u32 $0x1C00, v13  }
0x2b9: {  	v14 =	vor.u32 v13, v12  }
0x2ba: {  	v13 =	vor.u32 v9, v13;
	v10 =	vadd.f32 v10, v11;
	v14 =	vor.u32 $0x200, v14  }
0x2bb: {  	v11 =	vor.u32 v12, v13  }
0x2bc: {  	v10 =	vmul.f32 v10, v7;
	_ =	sdelay $0x1  }
0x2bd: {  	[tilespmem:v8+s0+$0x0] =	vst.idx.msk $0xffff, v10;
	v8 =	vmov v11  }
.Ltmp20:
0x2be: {  	v10 =	vld.idx.msk [tilespmem:v14+s12+$0x0], $0xffff;
	(pc) =	sbr.rel @p0 .LBB2_30-.Ltmp20, $3  }
0x2bf: {  	v11 =	vld.idx.msk [tilespmem:v11+s0+$0x0], $0xffff;
	_ =	sdelay $0x1  }
0x2c0: {  	v13 =	vmov s28  }
0x2c1: {  	v12 =	vor.u32 s28, v0;
	s28 =	sadd.s32 $0x10, s28;
	v13 =	vshll.u32 v13, $0x3  }
0x2c2: {  	v12 =	vand.u32 $0x7F, v12;
	v13 =	vand.u32 $0x1C00, v13  }
0x2c3: {  	v14 =	vor.u32 v13, v12  }
0x2c4: {  	v9 =	vor.u32 v9, v13;
	v10 =	vadd.f32 v10, v11;
	v63 =	vor.u32 $0x200, v14  }
0x2c5: {  	v9 =	vor.u32 v12, v9  }
0x2c6: {  	v10 =	vmul.f32 v10, v7;
	_ =	sdelay $0x1  }
0x2c7: {  	[tilespmem:v8+s0+$0x0] =	vst.idx.msk $0xffff, v10  }
0x2c8: {  	v8 =	vld.idx.msk [tilespmem:v63+s12+$0x0], $0xffff  }
0x2c9: {  	v10 =	vld.idx.msk [tilespmem:v9+s0+$0x0], $0xffff;
	_ =	sdelay $0x2  }
0x2ca: {  	s26 =	sadd.s32 $0x1, s26  }
0x2cb: {  	p0 =	sne.s32 s26, $0x10  }
.Ltmp21:
0x2cc: {  	v8 =	vadd.f32 v8, v10;
	(pc) =	sbr.rel @p0 .LBB2_29-.Ltmp21, $3  }
0x2cd: {  	_ = 	snop  }
0x2ce: {  	v7 =	vmul.f32 v8, v7;
	_ =	sdelay $0x1  }
0x2cf: {  	[tilespmem:v9+s0+$0x0] =	vst.idx.msk $0xffff, v7  }
0x2d0: {  	_ =	sdelay $0x3  }
0x2d1: {  	v6 =	vld.idx.msk [tilespmem:v6+s25+$0x0], $0xffff;
	_ =	sdelay $0x4  }
0x2d2: {  	v7 =	vshll.u32 v6, $0x3  }
0x2d3: {  	v6 =	vand.u32 $0x7, v6;
	v7 =	vand.u32 $0xFFFFFFC0, v7  }
0x2d4: {  	v6 =	vor.u32 v6, v7  }
0x2d5: {  	v7 =	vperm.xlane v6, v3;
	_ =	sdelay $0x1  }
0x2d6: {  	v7 =	vadd.s32 v4, v7;
	_ =	sdelay $0x4  }
0x2d7: {  	[hbm4b:s8+s9] =	stream.indirect_vreg.scatter [tilespmem:s0], [sflag:$0x1], $0x80, v7, vm0, $0xb8;
	[tilespmem:$0x8280] =	vst v63  }
0x2d8: {  	v6 =	vperm.xlane v6, v5  }
0x2d9: {  	[hbm4b:s17+s9] =	stream.indirect_vreg.scatter [tilespmem:s1], [sflag:$0x1], $0x80, v7, vm0, $0xb8;
	[tilespmem:$0x8280] =	vst v63  }
0x2da: {  	v6 =	vadd.s32 v4, v6  }
0x2db: {  	[hbm4b:s18+s9] =	stream.indirect_vreg.scatter [tilespmem:s3], [sflag:$0x1], $0x80, v7, vm0, $0xb8;
	[tilespmem:$0x8280] =	vst v63  }
0x2dc: {  	_ = 	snop  }
0x2dd: {  	[hbm4b:s19+s9] =	stream.indirect_vreg.scatter [tilespmem:s4], [sflag:$0x1], $0x80, v7, vm0, $0xb8;
	[tilespmem:$0x8280] =	vst v63  }
0x2de: {  	_ = 	snop  }
0x2df: {  	[hbm4b:s8+s9] =	stream.indirect_vreg.scatter [tilespmem:s5], [sflag:$0x1], $0x80, v6, vm0, $0xb8;
	[tilespmem:$0x8280] =	vst v63  }
0x2e0: {  	_ = 	snop  }
0x2e1: {  	[hbm4b:s17+s9] =	stream.indirect_vreg.scatter [tilespmem:s14], [sflag:$0x1], $0x80, v6, vm0, $0xb8;
	[tilespmem:$0x8280] =	vst v63  }
0x2e2: {  	s21 =	sadd.s32 $0x1, s21  }
0x2e3: {  	[hbm4b:s18+s9] =	stream.indirect_vreg.scatter [tilespmem:s15], [sflag:$0x1], $0x80, v6, vm0, $0xb8;
	[tilespmem:$0x8280] =	vst v63  }
0x2e4: {  	p0 =	sne.s32 s21, s22  }
0x2e5: {  	[hbm4b:s19+s9] =	stream.indirect_vreg.scatter [tilespmem:s16], [sflag:$0x1], $0x80, v6, vm0, $0xb8;
	[tilespmem:$0x8280] =	vst v63  }
.Ltmp22:
0x2e6: {  	_ = 	snop;
	(pc) =	sbr.rel @p0 .LBB2_28-.Ltmp22, $4  }
.Ltmp23:
0x2e7: {  	_ = 	snop;
	(pc) =	sbr.rel @!p0 .LBB2_33-.Ltmp23, $4  }
0x2e8: {  	_ =	swait.ge [sflag:s20], $0x4000  }
0x2e9: {  	[sflag:s20] =	ssyncset.done $0x0  }
0x2ea: {  	[sflag:s20] =	ssyncadd.s32 $0xFFFFC000  }
0x2eb: {  	_ = 	snop  }
.LBB2_34:
0x2ec: {  	_ =	sfence.sel $0x180000  }
0x2ed: {  	[bflag:$0x0] =	sbarrier.arrive $0xFFFF  }
0x2ee: {  	_ =	strace $0x90000047  }
0x2ef: {  	s0 =	stileid.u32;
	[bflag:$0x2] =	sbarrier.arrive $0xFFFF  }
0x2f0: {  	p0 =	sne.s32 s0, $0x0;
	s0 =	rddreg [dreg:$0x8]  }
0x2f1: {  	s0 =	sadd.s32 @!p0 $0x100000, s0  }
0x2f2: {  	[sflag:s0] =	ssyncadd.tile.s32 @!p0 $0x1;
	_ =	shalt  }
.Lfunc_end2:
_tile_overlayer_lowered:
.L_overlay_start_2:
0x2f3: {  	(tag) =	ssettag $0x2  }
0x2f4: {  	s0 =	rddreg [dreg:$0x0];
	s2 =	stileid.u32  }
0x2f5: {  	s1 =	rddreg [dreg:$0x1];
	p0 =	sne.s32 s2, $0x0  }
0x2f6: {  	s3 =	rddreg [dreg:$0x2];
	[bflag:$0x3] =	sbarrier.arrive $0xFFFF;
	s2 =	simm.s32 @!p0 $0x1C02  }
0x2f7: {  	[timem:s3], [sflag:s2] =	dma.local @!p0 [hbm:s0], s1  }
0x2f8: {  	s0 =	simm.s32 @!p0 $0x2  }
0x2f9: {  	_ =	swait.ge @!p0 [sflag:s0], s1  }
0x2fa: {  	s1 =	ssub.s32 @!p0 $0x0, s1;
	[sflag:s0] =	ssyncset.done @!p0 $0x0  }
0x2fb: {  	[sflag:s0] =	ssyncadd.s32 @!p0 s1  }
0x2fc: {  	[bflag:$0x3] =	sbarrier.arrive $0xFFFF  }
0x2fd: {  	_ =	shalt  }

</sc_bundles>
